<compile_context>
chip_gen: v7x
topology: tpu7x:2x2x1
jax: 0.10.2.dev20260603
libtpu: 0.0.44.dev20260713+nightly
codegen_flags: <defaults>
</compile_context>

<pallas_src>
import functools

import jax
import jax.numpy as jnp
from jax import lax
from jax.experimental import pallas as pl
from jax.experimental.pallas import tpu as pltpu
from jax.experimental.pallas import tpu_sc as plsc

NF = 10000
NE = 160000
H = 256
HH = 128
NCORE = 2
NSUB = 16
K = 128
NCH_REL = 79
EPT = NCH_REL * K
EPAD = EPT * NSUB
NCH = 2 * NCH_REL
NCH_PAD = NCH + 2
ROWS_PER_TILE = 632
R1 = 1000


def _dense1_body(xf, xa, wpf, bpf, wpa, bpa, wr1, wr2, wq1, wq2,
                 br1, bq1, br2, bq2, tab_o, base_o):
    hf = jnp.dot(xf[...], wpf[...], preferred_element_type=jnp.float32) + bpf[...]
    ha = jnp.dot(xa[...], wpa[...], preferred_element_type=jnp.float32) + bpa[...]
    tf = jnp.dot(hf, wr2[...], preferred_element_type=jnp.float32) * 0.5
    ta = jnp.dot(ha, wr1[...], preferred_element_type=jnp.float32) * 0.5
    wroot = (wq1[...] + wq2[...]) * 0.5
    bias = (br1[...] + bq1[...] + br2[...] + bq2[...]) * 0.5
    base = jnp.dot(hf, wroot, preferred_element_type=jnp.float32) + bias
    tab_o[0] = ta[:, :HH]
    tab_o[1] = tf[:, :HH]
    tab_o[2] = ta[:, HH:]
    tab_o[3] = tf[:, HH:]
    base_o[0] = base[:, :HH]
    base_o[1] = base[:, HH:]


def _dense1(x_flight, x_airport, wpf, bpf, wpa, bpa, wr1, wr2, wq1, wq2,
            br1, bq1, br2, bq2):
    n_blocks = NF // R1
    full = lambda shape: pl.BlockSpec(shape, lambda i: (0,) * len(shape))
    row_blk = lambda d: pl.BlockSpec((R1, d), lambda i: (i, 0))
    return pl.pallas_call(
        _dense1_body,
        grid=(n_blocks,),
        in_specs=[
            row_blk(256), row_blk(128),
            full((256, H)), full((H,)), full((128, H)), full((H,)),
            full((H, H)), full((H, H)), full((H, H)), full((H, H)),
            full((H,)), full((H,)), full((H,)), full((H,)),
        ],
        out_specs=[
            pl.BlockSpec((4, R1, HH), lambda i: (0, i, 0)),
            pl.BlockSpec((NCORE, R1, HH), lambda i: (0, i, 0)),
        ],
        out_shape=[
            jax.ShapeDtypeStruct((4, NF, HH), jnp.float32),
            jax.ShapeDtypeStruct((NCORE, NF, HH), jnp.float32),
        ],
    )(x_flight, x_airport, wpf, bpf, wpa, bpa, wr1, wr2, wq1, wq2,
      br1, bq1, br2, bq2)


def _sc_segment_add(tab, base2, src1, dst1):
    mesh = plsc.VectorSubcoreMesh(core_axis_name="c", subcore_axis_name="s")

    @functools.partial(
        pl.kernel,
        out_type=jax.ShapeDtypeStruct((NCORE * NF, HH), jnp.float32),
        mesh=mesh,
        scratch_types=[
            pltpu.VMEM_SHARED((NF + 16, HH), jnp.float32),
            [pltpu.VMEM((K,), jnp.int32)] * 2,
            [pltpu.VMEM((K,), jnp.int32)] * 2,
            [pltpu.VMEM((K, HH), jnp.float32)] * 2,
            [pltpu.SemaphoreType.DMA] * 2,
            [pltpu.SemaphoreType.DMA] * 2,
        ],
    )
    def sc_kernel(tab_h, base_h, src_h, dst_h, out_h,
                  acc_s, srcb, dstb, rows, isem, gsem):
        cid = lax.axis_index("c")
        sid = lax.axis_index("s")
        row0 = cid * NF
        win = tab_h.at[pl.ds(pl.multiple_of(cid * (2 * NF), 8), 2 * NF)]
        tile_lo = pl.multiple_of(
            jnp.minimum(sid * ROWS_PER_TILE, NF - ROWS_PER_TILE), 8)

        def coff(c):
            return pl.multiple_of((sid * NCH_PAD + c) * K, K)

        def idx_start(c, s):
            pltpu.async_copy(src_h.at[pl.ds(coff(c), K)], srcb[s], isem[s])
            pltpu.async_copy(dst_h.at[pl.ds(coff(c), K)], dstb[s], isem[s])

        def idx_wait(s):
            pltpu.make_async_copy(src_h.at[pl.ds(0, K)], srcb[s], isem[s]).wait()
            pltpu.make_async_copy(dst_h.at[pl.ds(0, K)], dstb[s], isem[s]).wait()

        def gather_start(s):
            pltpu.async_copy(win.at[srcb[s]], rows[s], gsem[s])

        def gather_wait(s):
            pltpu.make_async_copy(win.at[srcb[0]], rows[s], gsem[s]).wait()

        def scatter(s):
            pltpu.sync_copy(rows[s], acc_s.at[dstb[s]], add=True)

        pltpu.sync_copy(base_h.at[pl.ds(row0 + tile_lo, ROWS_PER_TILE)],
                        acc_s.at[pl.ds(tile_lo, ROWS_PER_TILE)])
        idx_start(0, 0)
        idx_start(1, 1)
        idx_wait(0)
        gather_start(0)
        plsc.subcore_barrier()

        def pair(i, carry):
            gather_wait(0)
            idx_wait(1)
            gather_start(1)
            scatter(0)
            idx_start(i + 2, 0)
            gather_wait(1)
            idx_wait(0)
            gather_start(0)
            scatter(1)
            idx_start(i + 3, 1)
            return carry

        lax.fori_loop(0, NCH // 2, lambda i, c: pair(2 * i, c), 0)
        gather_wait(0)
        idx_wait(1)
        plsc.subcore_barrier()
        pltpu.sync_copy(acc_s.at[pl.ds(tile_lo, ROWS_PER_TILE)],
                        out_h.at[pl.ds(row0 + tile_lo, ROWS_PER_TILE)])

    return sc_kernel(tab, base2, src1, dst1)


def _dense2_body(acc, wout, bout, out):
    a0 = jnp.maximum(acc[0], 0.0)
    a1 = jnp.maximum(acc[1], 0.0)
    p = (jnp.dot(a0, wout[:HH], preferred_element_type=jnp.float32)
         + jnp.dot(a1, wout[HH:], preferred_element_type=jnp.float32)
         + bout[...])
    out[...] = p


def _dense2(acc, wout, bout):
    n_blocks = NF // R1
    return pl.pallas_call(
        _dense2_body,
        grid=(n_blocks,),
        in_specs=[
            pl.BlockSpec((NCORE, R1, HH), lambda i: (0, i, 0)),
            pl.BlockSpec((H, 1), lambda i: (0, 0)),
            pl.BlockSpec((1,), lambda i: (0,)),
        ],
        out_specs=pl.BlockSpec((R1, 1), lambda i: (i, 0)),
        out_shape=jax.ShapeDtypeStruct((NF, 1), jnp.float32),
    )(acc, wout, bout)


def _edge_chunks(ei_a2f, ei_f2f):
    npad = EPAD - NE
    sa = jnp.concatenate([ei_a2f[0], jnp.zeros((npad,), jnp.int32)])
    da = jnp.concatenate([ei_a2f[1], jnp.full((npad,), NF, jnp.int32)])
    sf = jnp.concatenate([ei_f2f[0] + NF, jnp.zeros((npad,), jnp.int32)])
    df = jnp.concatenate([ei_f2f[1], jnp.full((npad,), NF, jnp.int32)])
    ncp = NCH_PAD - 2 * NCH_REL
    src3 = jnp.concatenate(
        [sa.reshape(NSUB, NCH_REL, K), sf.reshape(NSUB, NCH_REL, K),
         jnp.zeros((NSUB, ncp, K), jnp.int32)], axis=1)
    dst3 = jnp.concatenate(
        [da.reshape(NSUB, NCH_REL, K), df.reshape(NSUB, NCH_REL, K),
         jnp.full((NSUB, ncp, K), NF, jnp.int32)], axis=1)
    return src3.reshape(-1), dst3.reshape(-1)


def kernel(x_flight, x_airport, ei_a2f, ei_f2a, ei_f2f,
           Wp_flight, bp_flight, Wp_airport, bp_airport,
           Wrel_a2f, brel_a2f, Wroot_a2f, broot_a2f,
           Wrel_f2a, brel_f2a, Wroot_f2a, broot_f2a,
           Wrel_f2f, brel_f2f, Wroot_f2f, broot_f2f,
           Wout, bout):
    tab_s, base_s = _dense1(
        x_flight, x_airport, Wp_flight, bp_flight, Wp_airport, bp_airport,
        Wrel_a2f, Wrel_f2f, Wroot_a2f, Wroot_f2f,
        brel_a2f, broot_a2f, brel_f2f, broot_f2f)
    src1, dst1 = _edge_chunks(ei_a2f, ei_f2f)
    acc = _sc_segment_add(
        tab_s.reshape(4 * NF, HH),
        base_s.reshape(NCORE * NF, HH),
        src1, dst1)
    pred = _dense2(acc.reshape(NCORE, NF, HH), Wout, bout)
    return pred.squeeze(-1)

# --- scband reference (transcript-rebuilt; emitter-appended) ---
"""Pipeline reference for scband-dummy-model-21680994910276 (READ-ONLY COPY).

The authoritative reference and input builder live on the scoring server;
editing this copy changes nothing except your own understanding.
"""

import jax, jax.numpy as jnp
import numpy as np

N_FLIGHT = 10000
N_AIRPORT = 10000
E = 160000
D_FLIGHT = 256
D_AIRPORT = 128
H = 256
OUT = 1


def _lin_params(key, fan_in, fan_out):
    k1, k2 = jax.random.split(key)
    s = 1.0 / np.sqrt(fan_in)
    W = jax.random.uniform(k1, (fan_in, fan_out), minval=-s, maxval=s, dtype=jnp.float32)
    b = jax.random.uniform(k2, (fan_out,), minval=-s, maxval=s, dtype=jnp.float32)
    return W, b


def setup_inputs(seed: int = 0) -> dict:
    key = jax.random.key(seed)
    ks = jax.random.split(key, 16)
    inp = {}
    inp['x_flight'] = jax.random.normal(ks[0], (N_FLIGHT, D_FLIGHT), dtype=jnp.float32)
    inp['x_airport'] = jax.random.normal(ks[1], (N_AIRPORT, D_AIRPORT), dtype=jnp.float32)
    # edge_index: row 0 = src node ids, row 1 = dst node ids
    inp['ei_a2f'] = jax.random.randint(ks[2], (2, E), 0, N_AIRPORT, dtype=jnp.int32)
    inp['ei_f2a'] = jax.random.randint(ks[3], (2, E), 0, N_FLIGHT, dtype=jnp.int32)
    inp['ei_f2f'] = jax.random.randint(ks[4], (2, E), 0, N_FLIGHT, dtype=jnp.int32)
    # node projections
    inp['Wp_flight'], inp['bp_flight'] = _lin_params(ks[5], D_FLIGHT, H)
    inp['Wp_airport'], inp['bp_airport'] = _lin_params(ks[6], D_AIRPORT, H)
    # per-relation GraphConv params: lin_rel (applied to aggregated neighbors) and lin_root (applied to dst features)
    inp['Wrel_a2f'], inp['brel_a2f'] = _lin_params(ks[7], H, H)
    inp['Wroot_a2f'], inp['broot_a2f'] = _lin_params(ks[8], H, H)
    inp['Wrel_f2a'], inp['brel_f2a'] = _lin_params(ks[9], H, H)
    inp['Wroot_f2a'], inp['broot_f2a'] = _lin_params(ks[10], H, H)
    inp['Wrel_f2f'], inp['brel_f2f'] = _lin_params(ks[11], H, H)
    inp['Wroot_f2f'], inp['broot_f2f'] = _lin_params(ks[12], H, H)
    # output projection
    inp['Wout'], inp['bout'] = _lin_params(ks[13], H, OUT)
    return inp


def _graph_conv(x_src, x_dst, ei, Wrel, brel, Wroot, broot, n_dst):
    # PyG GraphConv with default aggr='add':
    # out = lin_rel(scatter_add(x_src[src], dst)) + lin_root(x_dst)
    msgs = jnp.take(x_src, ei[0], axis=0)
    agg = jax.ops.segment_sum(msgs, ei[1], num_segments=n_dst)
    return agg @ Wrel + brel + x_dst @ Wroot + broot


def reference(x_flight, x_airport, ei_a2f, ei_f2a, ei_f2f,
              Wp_flight, bp_flight, Wp_airport, bp_airport,
              Wrel_a2f, brel_a2f, Wroot_a2f, broot_a2f,
              Wrel_f2a, brel_f2a, Wroot_f2a, broot_f2a,
              Wrel_f2f, brel_f2f, Wroot_f2f, broot_f2f,
              Wout, bout):
    # node_proj
    hf = x_flight @ Wp_flight + bp_flight
    ha = x_airport @ Wp_airport + bp_airport
    # HeteroConv with aggr='mean' across relations sharing a dst node type
    out_f_1 = _graph_conv(ha, hf, ei_a2f, Wrel_a2f, brel_a2f, Wroot_a2f, broot_a2f, N_FLIGHT)
    out_f_2 = _graph_conv(hf, hf, ei_f2f, Wrel_f2f, brel_f2f, Wroot_f2f, broot_f2f, N_FLIGHT)
    out_flight = (out_f_1 + out_f_2) / 2.0
    out_airport = _graph_conv(hf, ha, ei_f2a, Wrel_f2a, brel_f2a, Wroot_f2a, broot_f2a, N_AIRPORT)
    # relu on every node type
    out_flight = jax.nn.relu(out_flight)
    out_airport = jax.nn.relu(out_airport)
    # out_proj on target node type 'flight', squeeze last dim
    pred = (out_flight @ Wout + bout).squeeze(-1)
    return pred

if __name__ == "__main__":
    import jax
    _d = setup_inputs()
    print(jax.jit(kernel)(*tuple(_d.values())))

</pallas_src>

<mosaic_0001>
#map = affine_map<(d0, d1) -> (0, 0)>
#map1 = affine_map<(d0, d1) -> (0)>
module attributes {stable_mosaic.version = 14 : i64} {
  func.func @sc_kernel(%arg0: i32, %arg1: i32, %arg2: memref<40000x128xf32, #tpu.memory_space<hbm>>, %arg3: memref<20000x128xf32, #tpu.memory_space<hbm>>, %arg4: memref<327680xi32, #tpu.memory_space<hbm>>, %arg5: memref<327680xi32, #tpu.memory_space<hbm>>, %arg6: memref<20000x128xf32, #tpu.memory_space<hbm>>, %arg7: memref<10016x128xf32, #tpu.memory_space<vmem_shared>>, %arg8: memref<128xi32, #tpu.memory_space<vmem>>, %arg9: memref<128xi32, #tpu.memory_space<vmem>>, %arg10: memref<128xi32, #tpu.memory_space<vmem>>, %arg11: memref<128xi32, #tpu.memory_space<vmem>>, %arg12: memref<128x128xf32, #tpu.memory_space<vmem>>, %arg13: memref<128x128xf32, #tpu.memory_space<vmem>>, %arg14: memref<!tpu.dma_semaphore, #tpu.memory_space<semaphore_mem>>, %arg15: memref<!tpu.dma_semaphore, #tpu.memory_space<semaphore_mem>>, %arg16: memref<!tpu.dma_semaphore, #tpu.memory_space<semaphore_mem>>, %arg17: memref<!tpu.dma_semaphore, #tpu.memory_space<semaphore_mem>>) attributes {dimension_semantics = [#tpu.dimension_semantics<core_parallel>, #tpu.dimension_semantics<subcore_parallel>], iteration_bounds = array<i64: 2, 16>, scalar_prefetch = 0 : i64, scratch_operands = 11 : i64, tpu.core_type = #tpu.core_type<sc_vector_subcore>, window_params = [{transform_indices = #map}, {transform_indices = #map}, {transform_indices = #map1}, {transform_indices = #map1}, {transform_indices = #map}]} {
    %mul3A = arith.constant 10000 : i32
    %mul3A_0 = arith.muli %arg0, %mul3A : i32
    %mul3A_1 = arith.constant 20000 : i32
    %mul3A_2 = arith.muli %arg0, %mul3A_1 : i32
    %multiple_of3A = tpu.assume_multiple %mul3A_2, 8 : i32
    %mul3A_3 = arith.constant 632 : i32
    %mul3A_4 = arith.muli %arg1, %mul3A_3 : i32
    %min3A = arith.constant 9368 : i32
    %min3A_5 = arith.minsi %mul3A_4, %min3A : i32
    %multiple_of3A_6 = tpu.assume_multiple %min3A_5, 8 : i32
    %add3A = arith.addi %mul3A_0, %multiple_of3A_6 : i32
    "tpu.region"() ({
      %run_scoped3A = tpu.sem_alloc : memref<!tpu.dma_semaphore, #tpu.memory_space<semaphore_mem>>
      %dma_start3A_74 = arith.constant 0 : i32
      %dma_start3A_75 = tpu.memref_slice %arg7[%multiple_of3A_6, %dma_start3A_74] : memref<10016x128xf32, #tpu.memory_space<vmem_shared>> -> memref<632x128xf32, #tpu.memory_space<vmem_shared>>
      %dma_start3A_76 = arith.constant 0 : i32
      %dma_start3A_77 = tpu.memref_slice %arg3[%add3A, %dma_start3A_76] : memref<20000x128xf32, #tpu.memory_space<hbm>> -> memref<632x128xf32, #tpu.memory_space<hbm>>
      tpu.enqueue_dma source(%dma_start3A_77 : memref<632x128xf32, #tpu.memory_space<hbm>>) target(%dma_start3A_75 : memref<632x128xf32, #tpu.memory_space<vmem_shared>>) target_semaphore(%run_scoped3A : memref<!tpu.dma_semaphore, #tpu.memory_space<semaphore_mem>>)
      %dma_wait3A_78 = arith.constant 0 : i32
      %dma_wait3A_79 = tpu.memref_slice %arg7[%multiple_of3A_6, %dma_wait3A_78] : memref<10016x128xf32, #tpu.memory_space<vmem_shared>> -> memref<632x128xf32, #tpu.memory_space<vmem_shared>>
      %dma_wait3A_80 = arith.constant 0 : i32
      %dma_wait3A_81 = tpu.memref_slice %arg3[%add3A, %dma_wait3A_80] : memref<20000x128xf32, #tpu.memory_space<hbm>> -> memref<632x128xf32, #tpu.memory_space<hbm>>
      tpu.wait_dma2 semaphore(%run_scoped3A : memref<!tpu.dma_semaphore, #tpu.memory_space<semaphore_mem>>) src(%dma_wait3A_81 : memref<632x128xf32, #tpu.memory_space<hbm>>) dst(%dma_wait3A_79 : memref<632x128xf32, #tpu.memory_space<vmem_shared>>)
      tpu.yield
    }) : () -> ()
    %mul3A_7 = arith.constant 160 : i32
    %mul3A_8 = arith.muli %arg1, %mul3A_7 : i32
    %add3A_9 = arith.constant 0 : i32
    %add3A_10 = arith.addi %mul3A_8, %add3A_9 : i32
    %mul3A_11 = arith.constant 128 : i32
    %mul3A_12 = arith.muli %add3A_10, %mul3A_11 : i32
    %multiple_of3A_13 = tpu.assume_multiple %mul3A_12, 128 : i32
    %dma_start3A = tpu.memref_slice %arg4[%multiple_of3A_13] : memref<327680xi32, #tpu.memory_space<hbm>> -> memref<128xi32, #tpu.memory_space<hbm>>
    %dma_start3A_14 = tpu.memref_slice %arg4[%multiple_of3A_13] : memref<327680xi32, #tpu.memory_space<hbm>> -> memref<128xi32, #tpu.memory_space<hbm>>
    tpu.enqueue_dma source(%dma_start3A_14 : memref<128xi32, #tpu.memory_space<hbm>>) target(%arg8 : memref<128xi32, #tpu.memory_space<vmem>>) target_semaphore(%arg14 : memref<!tpu.dma_semaphore, #tpu.memory_space<semaphore_mem>>)
    %mul3A_15 = arith.constant 160 : i32
    %mul3A_16 = arith.muli %arg1, %mul3A_15 : i32
    %add3A_17 = arith.constant 0 : i32
    %add3A_18 = arith.addi %mul3A_16, %add3A_17 : i32
    %mul3A_19 = arith.constant 128 : i32
    %mul3A_20 = arith.muli %add3A_18, %mul3A_19 : i32
    %multiple_of3A_21 = tpu.assume_multiple %mul3A_20, 128 : i32
    %dma_start3A_22 = tpu.memref_slice %arg5[%multiple_of3A_21] : memref<327680xi32, #tpu.memory_space<hbm>> -> memref<128xi32, #tpu.memory_space<hbm>>
    %dma_start3A_23 = tpu.memref_slice %arg5[%multiple_of3A_21] : memref<327680xi32, #tpu.memory_space<hbm>> -> memref<128xi32, #tpu.memory_space<hbm>>
    tpu.enqueue_dma source(%dma_start3A_23 : memref<128xi32, #tpu.memory_space<hbm>>) target(%arg10 : memref<128xi32, #tpu.memory_space<vmem>>) target_semaphore(%arg14 : memref<!tpu.dma_semaphore, #tpu.memory_space<semaphore_mem>>)
    %mul3A_24 = arith.constant 160 : i32
    %mul3A_25 = arith.muli %arg1, %mul3A_24 : i32
    %add3A_26 = arith.constant 1 : i32
    %add3A_27 = arith.addi %mul3A_25, %add3A_26 : i32
    %mul3A_28 = arith.constant 128 : i32
    %mul3A_29 = arith.muli %add3A_27, %mul3A_28 : i32
    %multiple_of3A_30 = tpu.assume_multiple %mul3A_29, 128 : i32
    %dma_start3A_31 = tpu.memref_slice %arg4[%multiple_of3A_30] : memref<327680xi32, #tpu.memory_space<hbm>> -> memref<128xi32, #tpu.memory_space<hbm>>
    %dma_start3A_32 = tpu.memref_slice %arg4[%multiple_of3A_30] : memref<327680xi32, #tpu.memory_space<hbm>> -> memref<128xi32, #tpu.memory_space<hbm>>
    tpu.enqueue_dma source(%dma_start3A_32 : memref<128xi32, #tpu.memory_space<hbm>>) target(%arg9 : memref<128xi32, #tpu.memory_space<vmem>>) target_semaphore(%arg15 : memref<!tpu.dma_semaphore, #tpu.memory_space<semaphore_mem>>)
    %mul3A_33 = arith.constant 160 : i32
    %mul3A_34 = arith.muli %arg1, %mul3A_33 : i32
    %add3A_35 = arith.constant 1 : i32
    %add3A_36 = arith.addi %mul3A_34, %add3A_35 : i32
    %mul3A_37 = arith.constant 128 : i32
    %mul3A_38 = arith.muli %add3A_36, %mul3A_37 : i32
    %multiple_of3A_39 = tpu.assume_multiple %mul3A_38, 128 : i32
    %dma_start3A_40 = tpu.memref_slice %arg5[%multiple_of3A_39] : memref<327680xi32, #tpu.memory_space<hbm>> -> memref<128xi32, #tpu.memory_space<hbm>>
    %dma_start3A_41 = tpu.memref_slice %arg5[%multiple_of3A_39] : memref<327680xi32, #tpu.memory_space<hbm>> -> memref<128xi32, #tpu.memory_space<hbm>>
    tpu.enqueue_dma source(%dma_start3A_41 : memref<128xi32, #tpu.memory_space<hbm>>) target(%arg11 : memref<128xi32, #tpu.memory_space<vmem>>) target_semaphore(%arg15 : memref<!tpu.dma_semaphore, #tpu.memory_space<semaphore_mem>>)
    %dma_wait3A = arith.constant 0 : i32
    %dma_wait3A_42 = tpu.memref_slice %arg4[%dma_wait3A] : memref<327680xi32, #tpu.memory_space<hbm>> -> memref<128xi32, #tpu.memory_space<hbm>>
    %dma_wait3A_43 = arith.constant 0 : i32
    %dma_wait3A_44 = tpu.memref_slice %arg4[%dma_wait3A_43] : memref<327680xi32, #tpu.memory_space<hbm>> -> memref<128xi32, #tpu.memory_space<hbm>>
    tpu.wait_dma2 semaphore(%arg14 : memref<!tpu.dma_semaphore, #tpu.memory_space<semaphore_mem>>) src(%dma_wait3A_44 : memref<128xi32, #tpu.memory_space<hbm>>) dst(%arg8 : memref<128xi32, #tpu.memory_space<vmem>>)
    %dma_wait3A_45 = arith.constant 0 : i32
    %dma_wait3A_46 = tpu.memref_slice %arg5[%dma_wait3A_45] : memref<327680xi32, #tpu.memory_space<hbm>> -> memref<128xi32, #tpu.memory_space<hbm>>
    %dma_wait3A_47 = arith.constant 0 : i32
    %dma_wait3A_48 = tpu.memref_slice %arg5[%dma_wait3A_47] : memref<327680xi32, #tpu.memory_space<hbm>> -> memref<128xi32, #tpu.memory_space<hbm>>
    tpu.wait_dma2 semaphore(%arg14 : memref<!tpu.dma_semaphore, #tpu.memory_space<semaphore_mem>>) src(%dma_wait3A_48 : memref<128xi32, #tpu.memory_space<hbm>>) dst(%arg10 : memref<128xi32, #tpu.memory_space<vmem>>)
    %dma_start3A_49 = arith.constant 0 : i32
    %dma_start3A_50 = tpu.memref_slice %arg2[%multiple_of3A, %dma_start3A_49] : memref<40000x128xf32, #tpu.memory_space<hbm>> -> memref<20000x128xf32, #tpu.memory_space<hbm>>
    %dma_start3A_51 = arith.constant 0 : i32
    %dma_start3A_52 = arith.constant 0 : i32
    %dma_start3A_53 = tpu.memref_slice %dma_start3A_50[%dma_start3A_51, %dma_start3A_52] : memref<20000x128xf32, #tpu.memory_space<hbm>> -> memref<20000x128xf32, #tpu.memory_space<hbm>>
    tpu.enqueue_indirect_dma source(%dma_start3A_53 : memref<20000x128xf32, #tpu.memory_space<hbm>>) target(%arg12 : memref<128x128xf32, #tpu.memory_space<vmem>>) offsets(%arg8 : memref<128xi32, #tpu.memory_space<vmem>>) semaphore(%arg16 : memref<!tpu.dma_semaphore, #tpu.memory_space<semaphore_mem>>)
    %barrier3A = arith.constant 0 : index
    tpu.barrier barrier_id(%barrier3A)
    %scan3A = arith.constant 0 : i32
    %scan3A_54 = arith.constant 0 : i32
    %scan3A_55 = arith.constant 79 : i32
    %scan3A_56 = arith.addi %scan3A_54, %scan3A_55 : i32
    %scan3A_57 = arith.constant 1 : i32
    scf.for %scan3A_74 = %scan3A_54 to %scan3A_56 step %scan3A_57  : i32 {
      %mul3A_75 = arith.constant 2 : i32
      %mul3A_76 = arith.muli %mul3A_75, %scan3A_74 : i32
      %dma_wait3A_77 = arith.constant 0 : i32
      %dma_wait3A_78 = tpu.memref_slice %arg2[%multiple_of3A, %dma_wait3A_77] : memref<40000x128xf32, #tpu.memory_space<hbm>> -> memref<20000x128xf32, #tpu.memory_space<hbm>>
      %dma_wait3A_79 = arith.constant 0 : i32
      %dma_wait3A_80 = arith.constant 0 : i32
      %dma_wait3A_81 = tpu.memref_slice %dma_wait3A_78[%dma_wait3A_79, %dma_wait3A_80] : memref<20000x128xf32, #tpu.memory_space<hbm>> -> memref<20000x128xf32, #tpu.memory_space<hbm>>
      tpu.wait_indirect_dma semaphore(%arg16 : memref<!tpu.dma_semaphore, #tpu.memory_space<semaphore_mem>>) src(%dma_wait3A_81 : memref<20000x128xf32, #tpu.memory_space<hbm>>) dst(%arg12 : memref<128x128xf32, #tpu.memory_space<vmem>>)
      %dma_wait3A_82 = arith.constant 0 : i32
      %dma_wait3A_83 = tpu.memref_slice %arg4[%dma_wait3A_82] : memref<327680xi32, #tpu.memory_space<hbm>> -> memref<128xi32, #tpu.memory_space<hbm>>
      %dma_wait3A_84 = arith.constant 0 : i32
      %dma_wait3A_85 = tpu.memref_slice %arg4[%dma_wait3A_84] : memref<327680xi32, #tpu.memory_space<hbm>> -> memref<128xi32, #tpu.memory_space<hbm>>
      tpu.wait_dma2 semaphore(%arg15 : memref<!tpu.dma_semaphore, #tpu.memory_space<semaphore_mem>>) src(%dma_wait3A_85 : memref<128xi32, #tpu.memory_space<hbm>>) dst(%arg9 : memref<128xi32, #tpu.memory_space<vmem>>)
      %dma_wait3A_86 = arith.constant 0 : i32
      %dma_wait3A_87 = tpu.memref_slice %arg5[%dma_wait3A_86] : memref<327680xi32, #tpu.memory_space<hbm>> -> memref<128xi32, #tpu.memory_space<hbm>>
      %dma_wait3A_88 = arith.constant 0 : i32
      %dma_wait3A_89 = tpu.memref_slice %arg5[%dma_wait3A_88] : memref<327680xi32, #tpu.memory_space<hbm>> -> memref<128xi32, #tpu.memory_space<hbm>>
      tpu.wait_dma2 semaphore(%arg15 : memref<!tpu.dma_semaphore, #tpu.memory_space<semaphore_mem>>) src(%dma_wait3A_89 : memref<128xi32, #tpu.memory_space<hbm>>) dst(%arg11 : memref<128xi32, #tpu.memory_space<vmem>>)
      %dma_start3A_90 = arith.constant 0 : i32
      %dma_start3A_91 = tpu.memref_slice %arg2[%multiple_of3A, %dma_start3A_90] : memref<40000x128xf32, #tpu.memory_space<hbm>> -> memref<20000x128xf32, #tpu.memory_space<hbm>>
      %dma_start3A_92 = arith.constant 0 : i32
      %dma_start3A_93 = arith.constant 0 : i32
      %dma_start3A_94 = tpu.memref_slice %dma_start3A_91[%dma_start3A_92, %dma_start3A_93] : memref<20000x128xf32, #tpu.memory_space<hbm>> -> memref<20000x128xf32, #tpu.memory_space<hbm>>
      tpu.enqueue_indirect_dma source(%dma_start3A_94 : memref<20000x128xf32, #tpu.memory_space<hbm>>) target(%arg13 : memref<128x128xf32, #tpu.memory_space<vmem>>) offsets(%arg9 : memref<128xi32, #tpu.memory_space<vmem>>) semaphore(%arg17 : memref<!tpu.dma_semaphore, #tpu.memory_space<semaphore_mem>>)
      "tpu.region"() ({
        %run_scoped3A = tpu.sem_alloc : memref<!tpu.dma_semaphore, #tpu.memory_space<semaphore_mem>>
        %dma_start3A_149 = arith.constant 0 : i32
        %dma_start3A_150 = arith.constant 0 : i32
        %dma_start3A_151 = tpu.memref_slice %arg7[%dma_start3A_149, %dma_start3A_150] : memref<10016x128xf32, #tpu.memory_space<vmem_shared>> -> memref<10016x128xf32, #tpu.memory_space<vmem_shared>>
        tpu.enqueue_indirect_dma source(%arg12 : memref<128x128xf32, #tpu.memory_space<vmem>>) target(%dma_start3A_151 : memref<10016x128xf32, #tpu.memory_space<vmem_shared>>) offsets(%arg10 : memref<128xi32, #tpu.memory_space<vmem>>) semaphore(%run_scoped3A : memref<!tpu.dma_semaphore, #tpu.memory_space<semaphore_mem>>) {add = true}
        %dma_wait3A_152 = arith.constant 0 : i32
        %dma_wait3A_153 = arith.constant 0 : i32
        %dma_wait3A_154 = tpu.memref_slice %arg7[%dma_wait3A_152, %dma_wait3A_153] : memref<10016x128xf32, #tpu.memory_space<vmem_shared>> -> memref<10016x128xf32, #tpu.memory_space<vmem_shared>>
        tpu.wait_indirect_dma semaphore(%run_scoped3A : memref<!tpu.dma_semaphore, #tpu.memory_space<semaphore_mem>>) src(%arg12 : memref<128x128xf32, #tpu.memory_space<vmem>>) dst(%dma_wait3A_154 : memref<10016x128xf32, #tpu.memory_space<vmem_shared>>)
        tpu.yield
      }) : () -> ()
      %add3A_95 = arith.constant 2 : i32
      %add3A_96 = arith.addi %mul3A_76, %add3A_95 : i32
      %mul3A_97 = arith.constant 160 : i32
      %mul3A_98 = arith.muli %arg1, %mul3A_97 : i32
      %add3A_99 = arith.addi %mul3A_98, %add3A_96 : i32
      %mul3A_100 = arith.constant 128 : i32
      %mul3A_101 = arith.muli %add3A_99, %mul3A_100 : i32
      %multiple_of3A_102 = tpu.assume_multiple %mul3A_101, 128 : i32
      %dma_start3A_103 = tpu.memref_slice %arg4[%multiple_of3A_102] : memref<327680xi32, #tpu.memory_space<hbm>> -> memref<128xi32, #tpu.memory_space<hbm>>
      %dma_start3A_104 = tpu.memref_slice %arg4[%multiple_of3A_102] : memref<327680xi32, #tpu.memory_space<hbm>> -> memref<128xi32, #tpu.memory_space<hbm>>
      tpu.enqueue_dma source(%dma_start3A_104 : memref<128xi32, #tpu.memory_space<hbm>>) target(%arg8 : memref<128xi32, #tpu.memory_space<vmem>>) target_semaphore(%arg14 : memref<!tpu.dma_semaphore, #tpu.memory_space<semaphore_mem>>)
      %mul3A_105 = arith.constant 160 : i32
      %mul3A_106 = arith.muli %arg1, %mul3A_105 : i32
      %add3A_107 = arith.addi %mul3A_106, %add3A_96 : i32
      %mul3A_108 = arith.constant 128 : i32
      %mul3A_109 = arith.muli %add3A_107, %mul3A_108 : i32
      %multiple_of3A_110 = tpu.assume_multiple %mul3A_109, 128 : i32
      %dma_start3A_111 = tpu.memref_slice %arg5[%multiple_of3A_110] : memref<327680xi32, #tpu.memory_space<hbm>> -> memref<128xi32, #tpu.memory_space<hbm>>
      %dma_start3A_112 = tpu.memref_slice %arg5[%multiple_of3A_110] : memref<327680xi32, #tpu.memory_space<hbm>> -> memref<128xi32, #tpu.memory_space<hbm>>
      tpu.enqueue_dma source(%dma_start3A_112 : memref<128xi32, #tpu.memory_space<hbm>>) target(%arg10 : memref<128xi32, #tpu.memory_space<vmem>>) target_semaphore(%arg14 : memref<!tpu.dma_semaphore, #tpu.memory_space<semaphore_mem>>)
      %dma_wait3A_113 = arith.constant 0 : i32
      %dma_wait3A_114 = tpu.memref_slice %arg2[%multiple_of3A, %dma_wait3A_113] : memref<40000x128xf32, #tpu.memory_space<hbm>> -> memref<20000x128xf32, #tpu.memory_space<hbm>>
      %dma_wait3A_115 = arith.constant 0 : i32
      %dma_wait3A_116 = arith.constant 0 : i32
      %dma_wait3A_117 = tpu.memref_slice %dma_wait3A_114[%dma_wait3A_115, %dma_wait3A_116] : memref<20000x128xf32, #tpu.memory_space<hbm>> -> memref<20000x128xf32, #tpu.memory_space<hbm>>
      tpu.wait_indirect_dma semaphore(%arg17 : memref<!tpu.dma_semaphore, #tpu.memory_space<semaphore_mem>>) src(%dma_wait3A_117 : memref<20000x128xf32, #tpu.memory_space<hbm>>) dst(%arg13 : memref<128x128xf32, #tpu.memory_space<vmem>>)
      %dma_wait3A_118 = arith.constant 0 : i32
      %dma_wait3A_119 = tpu.memref_slice %arg4[%dma_wait3A_118] : memref<327680xi32, #tpu.memory_space<hbm>> -> memref<128xi32, #tpu.memory_space<hbm>>
      %dma_wait3A_120 = arith.constant 0 : i32
      %dma_wait3A_121 = tpu.memref_slice %arg4[%dma_wait3A_120] : memref<327680xi32, #tpu.memory_space<hbm>> -> memref<128xi32, #tpu.memory_space<hbm>>
      tpu.wait_dma2 semaphore(%arg14 : memref<!tpu.dma_semaphore, #tpu.memory_space<semaphore_mem>>) src(%dma_wait3A_121 : memref<128xi32, #tpu.memory_space<hbm>>) dst(%arg8 : memref<128xi32, #tpu.memory_space<vmem>>)
      %dma_wait3A_122 = arith.constant 0 : i32
      %dma_wait3A_123 = tpu.memref_slice %arg5[%dma_wait3A_122] : memref<327680xi32, #tpu.memory_space<hbm>> -> memref<128xi32, #tpu.memory_space<hbm>>
      %dma_wait3A_124 = arith.constant 0 : i32
      %dma_wait3A_125 = tpu.memref_slice %arg5[%dma_wait3A_124] : memref<327680xi32, #tpu.memory_space<hbm>> -> memref<128xi32, #tpu.memory_space<hbm>>
      tpu.wait_dma2 semaphore(%arg14 : memref<!tpu.dma_semaphore, #tpu.memory_space<semaphore_mem>>) src(%dma_wait3A_125 : memref<128xi32, #tpu.memory_space<hbm>>) dst(%arg10 : memref<128xi32, #tpu.memory_space<vmem>>)
      %dma_start3A_126 = arith.constant 0 : i32
      %dma_start3A_127 = tpu.memref_slice %arg2[%multiple_of3A, %dma_start3A_126] : memref<40000x128xf32, #tpu.memory_space<hbm>> -> memref<20000x128xf32, #tpu.memory_space<hbm>>
      %dma_start3A_128 = arith.constant 0 : i32
      %dma_start3A_129 = arith.constant 0 : i32
      %dma_start3A_130 = tpu.memref_slice %dma_start3A_127[%dma_start3A_128, %dma_start3A_129] : memref<20000x128xf32, #tpu.memory_space<hbm>> -> memref<20000x128xf32, #tpu.memory_space<hbm>>
      tpu.enqueue_indirect_dma source(%dma_start3A_130 : memref<20000x128xf32, #tpu.memory_space<hbm>>) target(%arg12 : memref<128x128xf32, #tpu.memory_space<vmem>>) offsets(%arg8 : memref<128xi32, #tpu.memory_space<vmem>>) semaphore(%arg16 : memref<!tpu.dma_semaphore, #tpu.memory_space<semaphore_mem>>)
      "tpu.region"() ({
        %run_scoped3A = tpu.sem_alloc : memref<!tpu.dma_semaphore, #tpu.memory_space<semaphore_mem>>
        %dma_start3A_149 = arith.constant 0 : i32
        %dma_start3A_150 = arith.constant 0 : i32
        %dma_start3A_151 = tpu.memref_slice %arg7[%dma_start3A_149, %dma_start3A_150] : memref<10016x128xf32, #tpu.memory_space<vmem_shared>> -> memref<10016x128xf32, #tpu.memory_space<vmem_shared>>
        tpu.enqueue_indirect_dma source(%arg13 : memref<128x128xf32, #tpu.memory_space<vmem>>) target(%dma_start3A_151 : memref<10016x128xf32, #tpu.memory_space<vmem_shared>>) offsets(%arg11 : memref<128xi32, #tpu.memory_space<vmem>>) semaphore(%run_scoped3A : memref<!tpu.dma_semaphore, #tpu.memory_space<semaphore_mem>>) {add = true}
        %dma_wait3A_152 = arith.constant 0 : i32
        %dma_wait3A_153 = arith.constant 0 : i32
        %dma_wait3A_154 = tpu.memref_slice %arg7[%dma_wait3A_152, %dma_wait3A_153] : memref<10016x128xf32, #tpu.memory_space<vmem_shared>> -> memref<10016x128xf32, #tpu.memory_space<vmem_shared>>
        tpu.wait_indirect_dma semaphore(%run_scoped3A : memref<!tpu.dma_semaphore, #tpu.memory_space<semaphore_mem>>) src(%arg13 : memref<128x128xf32, #tpu.memory_space<vmem>>) dst(%dma_wait3A_154 : memref<10016x128xf32, #tpu.memory_space<vmem_shared>>)
        tpu.yield
      }) : () -> ()
      %add3A_131 = arith.constant 3 : i32
      %add3A_132 = arith.addi %mul3A_76, %add3A_131 : i32
      %mul3A_133 = arith.constant 160 : i32
      %mul3A_134 = arith.muli %arg1, %mul3A_133 : i32
      %add3A_135 = arith.addi %mul3A_134, %add3A_132 : i32
      %mul3A_136 = arith.constant 128 : i32
      %mul3A_137 = arith.muli %add3A_135, %mul3A_136 : i32
      %multiple_of3A_138 = tpu.assume_multiple %mul3A_137, 128 : i32
      %dma_start3A_139 = tpu.memref_slice %arg4[%multiple_of3A_138] : memref<327680xi32, #tpu.memory_space<hbm>> -> memref<128xi32, #tpu.memory_space<hbm>>
      %dma_start3A_140 = tpu.memref_slice %arg4[%multiple_of3A_138] : memref<327680xi32, #tpu.memory_space<hbm>> -> memref<128xi32, #tpu.memory_space<hbm>>
      tpu.enqueue_dma source(%dma_start3A_140 : memref<128xi32, #tpu.memory_space<hbm>>) target(%arg9 : memref<128xi32, #tpu.memory_space<vmem>>) target_semaphore(%arg15 : memref<!tpu.dma_semaphore, #tpu.memory_space<semaphore_mem>>)
      %mul3A_141 = arith.constant 160 : i32
      %mul3A_142 = arith.muli %arg1, %mul3A_141 : i32
      %add3A_143 = arith.addi %mul3A_142, %add3A_132 : i32
      %mul3A_144 = arith.constant 128 : i32
      %mul3A_145 = arith.muli %add3A_143, %mul3A_144 : i32
      %multiple_of3A_146 = tpu.assume_multiple %mul3A_145, 128 : i32
      %dma_start3A_147 = tpu.memref_slice %arg5[%multiple_of3A_146] : memref<327680xi32, #tpu.memory_space<hbm>> -> memref<128xi32, #tpu.memory_space<hbm>>
      %dma_start3A_148 = tpu.memref_slice %arg5[%multiple_of3A_146] : memref<327680xi32, #tpu.memory_space<hbm>> -> memref<128xi32, #tpu.memory_space<hbm>>
      tpu.enqueue_dma source(%dma_start3A_148 : memref<128xi32, #tpu.memory_space<hbm>>) target(%arg11 : memref<128xi32, #tpu.memory_space<vmem>>) target_semaphore(%arg15 : memref<!tpu.dma_semaphore, #tpu.memory_space<semaphore_mem>>)
    }
    %scan3A_58 = arith.constant 79 : i32
    %dma_wait3A_59 = arith.constant 0 : i32
    %dma_wait3A_60 = tpu.memref_slice %arg2[%multiple_of3A, %dma_wait3A_59] : memref<40000x128xf32, #tpu.memory_space<hbm>> -> memref<20000x128xf32, #tpu.memory_space<hbm>>
    %dma_wait3A_61 = arith.constant 0 : i32
    %dma_wait3A_62 = arith.constant 0 : i32
    %dma_wait3A_63 = tpu.memref_slice %dma_wait3A_60[%dma_wait3A_61, %dma_wait3A_62] : memref<20000x128xf32, #tpu.memory_space<hbm>> -> memref<20000x128xf32, #tpu.memory_space<hbm>>
    tpu.wait_indirect_dma semaphore(%arg16 : memref<!tpu.dma_semaphore, #tpu.memory_space<semaphore_mem>>) src(%dma_wait3A_63 : memref<20000x128xf32, #tpu.memory_space<hbm>>) dst(%arg12 : memref<128x128xf32, #tpu.memory_space<vmem>>)
    %dma_wait3A_64 = arith.constant 0 : i32
    %dma_wait3A_65 = tpu.memref_slice %arg4[%dma_wait3A_64] : memref<327680xi32, #tpu.memory_space<hbm>> -> memref<128xi32, #tpu.memory_space<hbm>>
    %dma_wait3A_66 = arith.constant 0 : i32
    %dma_wait3A_67 = tpu.memref_slice %arg4[%dma_wait3A_66] : memref<327680xi32, #tpu.memory_space<hbm>> -> memref<128xi32, #tpu.memory_space<hbm>>
    tpu.wait_dma2 semaphore(%arg15 : memref<!tpu.dma_semaphore, #tpu.memory_space<semaphore_mem>>) src(%dma_wait3A_67 : memref<128xi32, #tpu.memory_space<hbm>>) dst(%arg9 : memref<128xi32, #tpu.memory_space<vmem>>)
    %dma_wait3A_68 = arith.constant 0 : i32
    %dma_wait3A_69 = tpu.memref_slice %arg5[%dma_wait3A_68] : memref<327680xi32, #tpu.memory_space<hbm>> -> memref<128xi32, #tpu.memory_space<hbm>>
    %dma_wait3A_70 = arith.constant 0 : i32
    %dma_wait3A_71 = tpu.memref_slice %arg5[%dma_wait3A_70] : memref<327680xi32, #tpu.memory_space<hbm>> -> memref<128xi32, #tpu.memory_space<hbm>>
    tpu.wait_dma2 semaphore(%arg15 : memref<!tpu.dma_semaphore, #tpu.memory_space<semaphore_mem>>) src(%dma_wait3A_71 : memref<128xi32, #tpu.memory_space<hbm>>) dst(%arg11 : memref<128xi32, #tpu.memory_space<vmem>>)
    %barrier3A_72 = arith.constant 0 : index
    tpu.barrier barrier_id(%barrier3A_72)
    %add3A_73 = arith.addi %mul3A_0, %multiple_of3A_6 : i32
    "tpu.region"() ({
      %run_scoped3A = tpu.sem_alloc : memref<!tpu.dma_semaphore, #tpu.memory_space<semaphore_mem>>
      %dma_start3A_74 = arith.constant 0 : i32
      %dma_start3A_75 = tpu.memref_slice %arg6[%add3A_73, %dma_start3A_74] : memref<20000x128xf32, #tpu.memory_space<hbm>> -> memref<632x128xf32, #tpu.memory_space<hbm>>
      %dma_start3A_76 = arith.constant 0 : i32
      %dma_start3A_77 = tpu.memref_slice %arg7[%multiple_of3A_6, %dma_start3A_76] : memref<10016x128xf32, #tpu.memory_space<vmem_shared>> -> memref<632x128xf32, #tpu.memory_space<vmem_shared>>
      tpu.enqueue_dma source(%dma_start3A_77 : memref<632x128xf32, #tpu.memory_space<vmem_shared>>) target(%dma_start3A_75 : memref<632x128xf32, #tpu.memory_space<hbm>>) target_semaphore(%run_scoped3A : memref<!tpu.dma_semaphore, #tpu.memory_space<semaphore_mem>>)
      %dma_wait3A_78 = arith.constant 0 : i32
      %dma_wait3A_79 = tpu.memref_slice %arg6[%add3A_73, %dma_wait3A_78] : memref<20000x128xf32, #tpu.memory_space<hbm>> -> memref<632x128xf32, #tpu.memory_space<hbm>>
      %dma_wait3A_80 = arith.constant 0 : i32
      %dma_wait3A_81 = tpu.memref_slice %arg7[%multiple_of3A_6, %dma_wait3A_80] : memref<10016x128xf32, #tpu.memory_space<vmem_shared>> -> memref<632x128xf32, #tpu.memory_space<vmem_shared>>
      tpu.wait_dma2 semaphore(%run_scoped3A : memref<!tpu.dma_semaphore, #tpu.memory_space<semaphore_mem>>) src(%dma_wait3A_81 : memref<632x128xf32, #tpu.memory_space<vmem_shared>>) dst(%dma_wait3A_79 : memref<632x128xf32, #tpu.memory_space<hbm>>)
      tpu.yield
    }) : () -> ()
    return
  }
}

module attributes {stable_mosaic.version = 14 : i64} {
  func.func @_dense1_body(%arg0: i32, %arg1: memref<1000x256xf32, #tpu.memory_space<vmem>>, %arg2: memref<1000x128xf32, #tpu.memory_space<vmem>>, %arg3: memref<256x256xf32, #tpu.memory_space<vmem>>, %arg4: memref<256xf32, #tpu.memory_space<vmem>>, %arg5: memref<128x256xf32, #tpu.memory_space<vmem>>, %arg6: memref<256xf32, #tpu.memory_space<vmem>>, %arg7: memref<256x256xf32, #tpu.memory_space<vmem>>, %arg8: memref<256x256xf32, #tpu.memory_space<vmem>>, %arg9: memref<256x256xf32, #tpu.memory_space<vmem>>, %arg10: memref<256x256xf32, #tpu.memory_space<vmem>>, %arg11: memref<256xf32, #tpu.memory_space<vmem>>, %arg12: memref<256xf32, #tpu.memory_space<vmem>>, %arg13: memref<256xf32, #tpu.memory_space<vmem>>, %arg14: memref<256xf32, #tpu.memory_space<vmem>>, %arg15: memref<4x1000x128xf32, #tpu.memory_space<vmem>>, %arg16: memref<2x1000x128xf32, #tpu.memory_space<vmem>>) attributes {dimension_semantics = [#tpu.dimension_semantics<arbitrary>], iteration_bounds = array<i64: 10>, scalar_prefetch = 0 : i64, scratch_operands = 0 : i64, tpu.core_type = #tpu.core_type<tc>, window_params = [{transform_indices = @transform_0, window_bounds = array<i64: 1000, 256>}, {transform_indices = @transform_1, window_bounds = array<i64: 1000, 128>}, {pipeline_mode = #tpu.pipeline_mode<synchronous>, transform_indices = @transform_2, window_bounds = array<i64: 256, 256>}, {pipeline_mode = #tpu.pipeline_mode<synchronous>, transform_indices = @transform_3, window_bounds = array<i64: 256>}, {pipeline_mode = #tpu.pipeline_mode<synchronous>, transform_indices = @transform_4, window_bounds = array<i64: 128, 256>}, {pipeline_mode = #tpu.pipeline_mode<synchronous>, transform_indices = @transform_5, window_bounds = array<i64: 256>}, {pipeline_mode = #tpu.pipeline_mode<synchronous>, transform_indices = @transform_6, window_bounds = array<i64: 256, 256>}, {pipeline_mode = #tpu.pipeline_mode<synchronous>, transform_indices = @transform_7, window_bounds = array<i64: 256, 256>}, {pipeline_mode = #tpu.pipeline_mode<synchronous>, transform_indices = @transform_8, window_bounds = array<i64: 256, 256>}, {pipeline_mode = #tpu.pipeline_mode<synchronous>, transform_indices = @transform_9, window_bounds = array<i64: 256, 256>}, {pipeline_mode = #tpu.pipeline_mode<synchronous>, transform_indices = @transform_10, window_bounds = array<i64: 256>}, {pipeline_mode = #tpu.pipeline_mode<synchronous>, transform_indices = @transform_11, window_bounds = array<i64: 256>}, {pipeline_mode = #tpu.pipeline_mode<synchronous>, transform_indices = @transform_12, window_bounds = array<i64: 256>}, {pipeline_mode = #tpu.pipeline_mode<synchronous>, transform_indices = @transform_13, window_bounds = array<i64: 256>}, {transform_indices = @transform_14, window_bounds = array<i64: 4, 1000, 128>}, {transform_indices = @transform_15, window_bounds = array<i64: 2, 1000, 128>}]} {
    %get3A = arith.constant 0 : index
    %get3A_0 = arith.constant 0 : index
    %get3A_1 = vector.load %arg1[%get3A, %get3A_0] : memref<1000x256xf32, #tpu.memory_space<vmem>>, vector<1000x256xf32>
    %get3A_2 = arith.constant 0 : index
    %get3A_3 = arith.constant 0 : index
    %get3A_4 = vector.load %arg3[%get3A_2, %get3A_3] : memref<256x256xf32, #tpu.memory_space<vmem>>, vector<256x256xf32>
    %dot_general3A = arith.constant dense<0.000000e+00> : vector<1000x256xf32>
    %dot_general3A_5 = tpu.matmul %get3A_1, %get3A_4, %dot_general3A {dimension_numbers = #tpu.dot_dimension_numbers<[1], [0], [0], [1], [0, 0, 1, 1], [], []>, transpose_lhs_hint = false} : vector<1000x256xf32>, vector<256x256xf32>, vector<1000x256xf32> -> vector<1000x256xf32>
    %get3A_6 = arith.constant 0 : index
    %get3A_7 = vector.load %arg4[%get3A_6] : memref<256xf32, #tpu.memory_space<vmem>>, vector<256xf32>
    %broadcast_in_dim3A = vector.shape_cast %get3A_7 : vector<256xf32> to vector<1x256xf32>
    %add3A = vector.broadcast %broadcast_in_dim3A : vector<1x256xf32> to vector<1000x256xf32>
    %add3A_8 = arith.addf %dot_general3A_5, %add3A : vector<1000x256xf32>
    %get3A_9 = arith.constant 0 : index
    %get3A_10 = arith.constant 0 : index
    %get3A_11 = vector.load %arg2[%get3A_9, %get3A_10] : memref<1000x128xf32, #tpu.memory_space<vmem>>, vector<1000x128xf32>
    %get3A_12 = arith.constant 0 : index
    %get3A_13 = arith.constant 0 : index
    %get3A_14 = vector.load %arg5[%get3A_12, %get3A_13] : memref<128x256xf32, #tpu.memory_space<vmem>>, vector<128x256xf32>
    %dot_general3A_15 = arith.constant dense<0.000000e+00> : vector<1000x256xf32>
    %dot_general3A_16 = tpu.matmul %get3A_11, %get3A_14, %dot_general3A_15 {dimension_numbers = #tpu.dot_dimension_numbers<[1], [0], [0], [1], [0, 0, 1, 1], [], []>, transpose_lhs_hint = false} : vector<1000x128xf32>, vector<128x256xf32>, vector<1000x256xf32> -> vector<1000x256xf32>
    %get3A_17 = arith.constant 0 : index
    %get3A_18 = vector.load %arg6[%get3A_17] : memref<256xf32, #tpu.memory_space<vmem>>, vector<256xf32>
    %broadcast_in_dim3A_19 = vector.shape_cast %get3A_18 : vector<256xf32> to vector<1x256xf32>
    %add3A_20 = vector.broadcast %broadcast_in_dim3A_19 : vector<1x256xf32> to vector<1000x256xf32>
    %add3A_21 = arith.addf %dot_general3A_16, %add3A_20 : vector<1000x256xf32>
    %get3A_22 = arith.constant 0 : index
    %get3A_23 = arith.constant 0 : index
    %get3A_24 = vector.load %arg8[%get3A_22, %get3A_23] : memref<256x256xf32, #tpu.memory_space<vmem>>, vector<256x256xf32>
    %dot_general3A_25 = arith.constant dense<0.000000e+00> : vector<1000x256xf32>
    %dot_general3A_26 = tpu.matmul %add3A_8, %get3A_24, %dot_general3A_25 {dimension_numbers = #tpu.dot_dimension_numbers<[1], [0], [0], [1], [0, 0, 1, 1], [], []>, transpose_lhs_hint = false} : vector<1000x256xf32>, vector<256x256xf32>, vector<1000x256xf32> -> vector<1000x256xf32>
    %mul3A = arith.constant 5.000000e-01 : f32
    %mul3A_27 = vector.broadcast %mul3A : f32 to vector<1000x256xf32>
    %mul3A_28 = arith.mulf %dot_general3A_26, %mul3A_27 : vector<1000x256xf32>
    %get3A_29 = arith.constant 0 : index
    %get3A_30 = arith.constant 0 : index
    %get3A_31 = vector.load %arg7[%get3A_29, %get3A_30] : memref<256x256xf32, #tpu.memory_space<vmem>>, vector<256x256xf32>
    %dot_general3A_32 = arith.constant dense<0.000000e+00> : vector<1000x256xf32>
    %dot_general3A_33 = tpu.matmul %add3A_21, %get3A_31, %dot_general3A_32 {dimension_numbers = #tpu.dot_dimension_numbers<[1], [0], [0], [1], [0, 0, 1, 1], [], []>, transpose_lhs_hint = false} : vector<1000x256xf32>, vector<256x256xf32>, vector<1000x256xf32> -> vector<1000x256xf32>
    %mul3A_34 = arith.constant 5.000000e-01 : f32
    %mul3A_35 = vector.broadcast %mul3A_34 : f32 to vector<1000x256xf32>
    %mul3A_36 = arith.mulf %dot_general3A_33, %mul3A_35 : vector<1000x256xf32>
    %get3A_37 = arith.constant 0 : index
    %get3A_38 = arith.constant 0 : index
    %get3A_39 = vector.load %arg9[%get3A_37, %get3A_38] : memref<256x256xf32, #tpu.memory_space<vmem>>, vector<256x256xf32>
    %get3A_40 = arith.constant 0 : index
    %get3A_41 = arith.constant 0 : index
    %get3A_42 = vector.load %arg10[%get3A_40, %get3A_41] : memref<256x256xf32, #tpu.memory_space<vmem>>, vector<256x256xf32>
    %add3A_43 = arith.addf %get3A_39, %get3A_42 : vector<256x256xf32>
    %mul3A_44 = arith.constant 5.000000e-01 : f32
    %mul3A_45 = vector.broadcast %mul3A_44 : f32 to vector<256x256xf32>
    %mul3A_46 = arith.mulf %add3A_43, %mul3A_45 : vector<256x256xf32>
    %get3A_47 = arith.constant 0 : index
    %get3A_48 = vector.load %arg11[%get3A_47] : memref<256xf32, #tpu.memory_space<vmem>>, vector<256xf32>
    %get3A_49 = arith.constant 0 : index
    %get3A_50 = vector.load %arg12[%get3A_49] : memref<256xf32, #tpu.memory_space<vmem>>, vector<256xf32>
    %add3A_51 = arith.addf %get3A_48, %get3A_50 : vector<256xf32>
    %get3A_52 = arith.constant 0 : index
    %get3A_53 = vector.load %arg13[%get3A_52] : memref<256xf32, #tpu.memory_space<vmem>>, vector<256xf32>
    %add3A_54 = arith.addf %add3A_51, %get3A_53 : vector<256xf32>
    %get3A_55 = arith.constant 0 : index
    %get3A_56 = vector.load %arg14[%get3A_55] : memref<256xf32, #tpu.memory_space<vmem>>, vector<256xf32>
    %add3A_57 = arith.addf %add3A_54, %get3A_56 : vector<256xf32>
    %mul3A_58 = arith.constant 5.000000e-01 : f32
    %mul3A_59 = vector.broadcast %mul3A_58 : f32 to vector<256xf32>
    %mul3A_60 = arith.mulf %add3A_57, %mul3A_59 : vector<256xf32>
    %dot_general3A_61 = arith.constant dense<0.000000e+00> : vector<1000x256xf32>
    %dot_general3A_62 = tpu.matmul %add3A_8, %mul3A_46, %dot_general3A_61 {dimension_numbers = #tpu.dot_dimension_numbers<[1], [0], [0], [1], [0, 0, 1, 1], [], []>, transpose_lhs_hint = false} : vector<1000x256xf32>, vector<256x256xf32>, vector<1000x256xf32> -> vector<1000x256xf32>
    %broadcast_in_dim3A_63 = vector.shape_cast %mul3A_60 : vector<256xf32> to vector<1x256xf32>
    %add3A_64 = vector.broadcast %broadcast_in_dim3A_63 : vector<1x256xf32> to vector<1000x256xf32>
    %add3A_65 = arith.addf %dot_general3A_62, %add3A_64 : vector<1000x256xf32>
    %slice3A = vector.extract_strided_slice %mul3A_36 {offsets = [0, 0], sizes = [1000, 128], strides = [1, 1]} : vector<1000x256xf32> to vector<1000x128xf32>
    %swap3A = arith.constant 0 : index
    %swap3A_66 = arith.constant 0 : index
    %swap3A_67 = arith.constant 0 : index
    %swap3A_68 = vector.load %arg15[%swap3A, %swap3A_66, %swap3A_67] : memref<4x1000x128xf32, #tpu.memory_space<vmem>>, vector<1x1000x128xf32>
    %swap3A_69 = vector.shape_cast %swap3A_68 : vector<1x1000x128xf32> to vector<1000x128xf32>
    %swap3A_70 = vector.shape_cast %slice3A : vector<1000x128xf32> to vector<1x1000x128xf32>
    tpu.vector_store %arg15[%swap3A, %swap3A_66, %swap3A_67], %swap3A_70 {strides = array<i32>} : memref<4x1000x128xf32, #tpu.memory_space<vmem>>, vector<1x1000x128xf32>,
    %slice3A_71 = vector.extract_strided_slice %mul3A_28 {offsets = [0, 0], sizes = [1000, 128], strides = [1, 1]} : vector<1000x256xf32> to vector<1000x128xf32>
    %swap3A_72 = arith.constant 1 : index
    %swap3A_73 = arith.constant 0 : index
    %swap3A_74 = arith.constant 0 : index
    %swap3A_75 = vector.load %arg15[%swap3A_72, %swap3A_73, %swap3A_74] : memref<4x1000x128xf32, #tpu.memory_space<vmem>>, vector<1x1000x128xf32>
    %swap3A_76 = vector.shape_cast %swap3A_75 : vector<1x1000x128xf32> to vector<1000x128xf32>
    %swap3A_77 = vector.shape_cast %slice3A_71 : vector<1000x128xf32> to vector<1x1000x128xf32>
    tpu.vector_store %arg15[%swap3A_72, %swap3A_73, %swap3A_74], %swap3A_77 {strides = array<i32>} : memref<4x1000x128xf32, #tpu.memory_space<vmem>>, vector<1x1000x128xf32>,
    %slice3A_78 = vector.extract_strided_slice %mul3A_36 {offsets = [0, 128], sizes = [1000, 128], strides = [1, 1]} : vector<1000x256xf32> to vector<1000x128xf32>
    %swap3A_79 = arith.constant 2 : index
    %swap3A_80 = arith.constant 0 : index
    %swap3A_81 = arith.constant 0 : index
    %swap3A_82 = vector.load %arg15[%swap3A_79, %swap3A_80, %swap3A_81] : memref<4x1000x128xf32, #tpu.memory_space<vmem>>, vector<1x1000x128xf32>
    %swap3A_83 = vector.shape_cast %swap3A_82 : vector<1x1000x128xf32> to vector<1000x128xf32>
    %swap3A_84 = vector.shape_cast %slice3A_78 : vector<1000x128xf32> to vector<1x1000x128xf32>
    tpu.vector_store %arg15[%swap3A_79, %swap3A_80, %swap3A_81], %swap3A_84 {strides = array<i32>} : memref<4x1000x128xf32, #tpu.memory_space<vmem>>, vector<1x1000x128xf32>,
    %slice3A_85 = vector.extract_strided_slice %mul3A_28 {offsets = [0, 128], sizes = [1000, 128], strides = [1, 1]} : vector<1000x256xf32> to vector<1000x128xf32>
    %swap3A_86 = arith.constant 3 : index
    %swap3A_87 = arith.constant 0 : index
    %swap3A_88 = arith.constant 0 : index
    %swap3A_89 = vector.load %arg15[%swap3A_86, %swap3A_87, %swap3A_88] : memref<4x1000x128xf32, #tpu.memory_space<vmem>>, vector<1x1000x128xf32>
    %swap3A_90 = vector.shape_cast %swap3A_89 : vector<1x1000x128xf32> to vector<1000x128xf32>
    %swap3A_91 = vector.shape_cast %slice3A_85 : vector<1000x128xf32> to vector<1x1000x128xf32>
    tpu.vector_store %arg15[%swap3A_86, %swap3A_87, %swap3A_88], %swap3A_91 {strides = array<i32>} : memref<4x1000x128xf32, #tpu.memory_space<vmem>>, vector<1x1000x128xf32>,
    %slice3A_92 = vector.extract_strided_slice %add3A_65 {offsets = [0, 0], sizes = [1000, 128], strides = [1, 1]} : vector<1000x256xf32> to vector<1000x128xf32>
    %swap3A_93 = arith.constant 0 : index
    %swap3A_94 = arith.constant 0 : index
    %swap3A_95 = arith.constant 0 : index
    %swap3A_96 = vector.load %arg16[%swap3A_93, %swap3A_94, %swap3A_95] : memref<2x1000x128xf32, #tpu.memory_space<vmem>>, vector<1x1000x128xf32>
    %swap3A_97 = vector.shape_cast %swap3A_96 : vector<1x1000x128xf32> to vector<1000x128xf32>
    %swap3A_98 = vector.shape_cast %slice3A_92 : vector<1000x128xf32> to vector<1x1000x128xf32>
    tpu.vector_store %arg16[%swap3A_93, %swap3A_94, %swap3A_95], %swap3A_98 {strides = array<i32>} : memref<2x1000x128xf32, #tpu.memory_space<vmem>>, vector<1x1000x128xf32>,
    %slice3A_99 = vector.extract_strided_slice %add3A_65 {offsets = [0, 128], sizes = [1000, 128], strides = [1, 1]} : vector<1000x256xf32> to vector<1000x128xf32>
    %swap3A_100 = arith.constant 1 : index
    %swap3A_101 = arith.constant 0 : index
    %swap3A_102 = arith.constant 0 : index
    %swap3A_103 = vector.load %arg16[%swap3A_100, %swap3A_101, %swap3A_102] : memref<2x1000x128xf32, #tpu.memory_space<vmem>>, vector<1x1000x128xf32>
    %swap3A_104 = vector.shape_cast %swap3A_103 : vector<1x1000x128xf32> to vector<1000x128xf32>
    %swap3A_105 = vector.shape_cast %slice3A_99 : vector<1000x128xf32> to vector<1x1000x128xf32>
    tpu.vector_store %arg16[%swap3A_100, %swap3A_101, %swap3A_102], %swap3A_105 {strides = array<i32>} : memref<2x1000x128xf32, #tpu.memory_space<vmem>>, vector<1x1000x128xf32>,
    return
  }
  func.func @transform_0(%arg0: i32) -> (i32, i32) {
    %c0_i32 = arith.constant 0 : i32
    %c0_i32_0 = arith.constant 0 : i32
    return %arg0, %c0_i32 : i32, i32
  }
  func.func @transform_1(%arg0: i32) -> (i32, i32) {
    %c0_i32 = arith.constant 0 : i32
    %c0_i32_0 = arith.constant 0 : i32
    return %arg0, %c0_i32 : i32, i32
  }
  func.func @transform_2(%arg0: i32) -> (i32, i32) {
    %c0_i32 = arith.constant 0 : i32
    %c0_i32_0 = arith.constant 0 : i32
    %c0_i32_1 = arith.constant 0 : i32
    return %c0_i32, %c0_i32_0 : i32, i32
  }
  func.func @transform_3(%arg0: i32) -> i32 {
    %c0_i32 = arith.constant 0 : i32
    %c0_i32_0 = arith.constant 0 : i32
    return %c0_i32 : i32
  }
  func.func @transform_4(%arg0: i32) -> (i32, i32) {
    %c0_i32 = arith.constant 0 : i32
    %c0_i32_0 = arith.constant 0 : i32
    %c0_i32_1 = arith.constant 0 : i32
    return %c0_i32, %c0_i32_0 : i32, i32
  }
  func.func @transform_5(%arg0: i32) -> i32 {
    %c0_i32 = arith.constant 0 : i32
    %c0_i32_0 = arith.constant 0 : i32
    return %c0_i32 : i32
  }
  func.func @transform_6(%arg0: i32) -> (i32, i32) {
    %c0_i32 = arith.constant 0 : i32
    %c0_i32_0 = arith.constant 0 : i32
    %c0_i32_1 = arith.constant 0 : i32
    return %c0_i32, %c0_i32_0 : i32, i32
  }
  func.func @transform_7(%arg0: i32) -> (i32, i32) {
    %c0_i32 = arith.constant 0 : i32
    %c0_i32_0 = arith.constant 0 : i32
    %c0_i32_1 = arith.constant 0 : i32
    return %c0_i32, %c0_i32_0 : i32, i32
  }
  func.func @transform_8(%arg0: i32) -> (i32, i32) {
    %c0_i32 = arith.constant 0 : i32
    %c0_i32_0 = arith.constant 0 : i32
    %c0_i32_1 = arith.constant 0 : i32
    return %c0_i32, %c0_i32_0 : i32, i32
  }
  func.func @transform_9(%arg0: i32) -> (i32, i32) {
    %c0_i32 = arith.constant 0 : i32
    %c0_i32_0 = arith.constant 0 : i32
    %c0_i32_1 = arith.constant 0 : i32
    return %c0_i32, %c0_i32_0 : i32, i32
  }
  func.func @transform_10(%arg0: i32) -> i32 {
    %c0_i32 = arith.constant 0 : i32
    %c0_i32_0 = arith.constant 0 : i32
    return %c0_i32 : i32
  }
  func.func @transform_11(%arg0: i32) -> i32 {
    %c0_i32 = arith.constant 0 : i32
    %c0_i32_0 = arith.constant 0 : i32
    return %c0_i32 : i32
  }
  func.func @transform_12(%arg0: i32) -> i32 {
    %c0_i32 = arith.constant 0 : i32
    %c0_i32_0 = arith.constant 0 : i32
    return %c0_i32 : i32
  }
  func.func @transform_13(%arg0: i32) -> i32 {
    %c0_i32 = arith.constant 0 : i32
    %c0_i32_0 = arith.constant 0 : i32
    return %c0_i32 : i32
  }
  func.func @transform_14(%arg0: i32) -> (i32, i32, i32) {
    %c0_i32 = arith.constant 0 : i32
    %c0_i32_0 = arith.constant 0 : i32
    %c0_i32_1 = arith.constant 0 : i32
    return %c0_i32, %arg0, %c0_i32_0 : i32, i32, i32
  }
  func.func @transform_15(%arg0: i32) -> (i32, i32, i32) {
    %c0_i32 = arith.constant 0 : i32
    %c0_i32_0 = arith.constant 0 : i32
    %c0_i32_1 = arith.constant 0 : i32
    return %c0_i32, %arg0, %c0_i32_0 : i32, i32, i32
  }
}

module attributes {stable_mosaic.version = 14 : i64} {
  func.func @_dense2_body(%arg0: i32, %arg1: memref<2x1000x128xf32, #tpu.memory_space<vmem>>, %arg2: memref<256x1xf32, #tpu.memory_space<vmem>>, %arg3: memref<1xf32, #tpu.memory_space<vmem>>, %arg4: memref<1000x1xf32, #tpu.memory_space<vmem>>) attributes {dimension_semantics = [#tpu.dimension_semantics<arbitrary>], iteration_bounds = array<i64: 10>, scalar_prefetch = 0 : i64, scratch_operands = 0 : i64, tpu.core_type = #tpu.core_type<tc>, window_params = [{transform_indices = @transform_0, window_bounds = array<i64: 2, 1000, 128>}, {pipeline_mode = #tpu.pipeline_mode<synchronous>, transform_indices = @transform_1, window_bounds = array<i64: 256, 1>}, {pipeline_mode = #tpu.pipeline_mode<synchronous>, transform_indices = @transform_2, window_bounds = array<i64: 1>}, {transform_indices = @transform_3, window_bounds = array<i64: 1000, 1>}]} {
    %get3A = arith.constant 0 : index
    %get3A_0 = arith.constant 0 : index
    %get3A_1 = arith.constant 0 : index
    %get3A_2 = vector.load %arg1[%get3A, %get3A_0, %get3A_1] : memref<2x1000x128xf32, #tpu.memory_space<vmem>>, vector<1x1000x128xf32>
    %get3A_3 = vector.shape_cast %get3A_2 : vector<1x1000x128xf32> to vector<1000x128xf32>
    %max3A = arith.constant 0.000000e+00 : f32
    %max3A_4 = vector.broadcast %max3A : f32 to vector<1000x128xf32>
    %max3A_5 = arith.maximumf %get3A_3, %max3A_4 : vector<1000x128xf32>
    %get3A_6 = arith.constant 1 : index
    %get3A_7 = arith.constant 0 : index
    %get3A_8 = arith.constant 0 : index
    %get3A_9 = vector.load %arg1[%get3A_6, %get3A_7, %get3A_8] : memref<2x1000x128xf32, #tpu.memory_space<vmem>>, vector<1x1000x128xf32>
    %get3A_10 = vector.shape_cast %get3A_9 : vector<1x1000x128xf32> to vector<1000x128xf32>
    %max3A_11 = arith.constant 0.000000e+00 : f32
    %max3A_12 = vector.broadcast %max3A_11 : f32 to vector<1000x128xf32>
    %max3A_13 = arith.maximumf %get3A_10, %max3A_12 : vector<1000x128xf32>
    %get3A_14 = arith.constant 0 : index
    %get3A_15 = arith.constant 0 : index
    %get3A_16 = vector.load %arg2[%get3A_14, %get3A_15] : memref<256x1xf32, #tpu.memory_space<vmem>>, vector<128x1xf32>
    %dot_general3A = arith.constant dense<0.000000e+00> : vector<1000x1xf32>
    %dot_general3A_17 = tpu.matmul %max3A_5, %get3A_16, %dot_general3A {dimension_numbers = #tpu.dot_dimension_numbers<[1], [0], [0], [1], [0, 0, 1, 1], [], []>, transpose_lhs_hint = false} : vector<1000x128xf32>, vector<128x1xf32>, vector<1000x1xf32> -> vector<1000x1xf32>
    %get3A_18 = arith.constant 128 : index
    %get3A_19 = arith.constant 0 : index
    %get3A_20 = vector.load %arg2[%get3A_18, %get3A_19] : memref<256x1xf32, #tpu.memory_space<vmem>>, vector<128x1xf32>
    %dot_general3A_21 = arith.constant dense<0.000000e+00> : vector<1000x1xf32>
    %dot_general3A_22 = tpu.matmul %max3A_13, %get3A_20, %dot_general3A_21 {dimension_numbers = #tpu.dot_dimension_numbers<[1], [0], [0], [1], [0, 0, 1, 1], [], []>, transpose_lhs_hint = false} : vector<1000x128xf32>, vector<128x1xf32>, vector<1000x1xf32> -> vector<1000x1xf32>
    %add3A = arith.addf %dot_general3A_17, %dot_general3A_22 : vector<1000x1xf32>
    %get3A_23 = arith.constant 0 : index
    %get3A_24 = vector.load %arg3[%get3A_23] : memref<1xf32, #tpu.memory_space<vmem>>, vector<1xf32>
    %broadcast_in_dim3A = vector.shape_cast %get3A_24 : vector<1xf32> to vector<1x1xf32>
    %add3A_25 = vector.broadcast %broadcast_in_dim3A : vector<1x1xf32> to vector<1000x1xf32>
    %add3A_26 = arith.addf %add3A, %add3A_25 : vector<1000x1xf32>
    %swap3A = arith.constant 0 : index
    %swap3A_27 = arith.constant 0 : index
    %swap3A_28 = vector.load %arg4[%swap3A, %swap3A_27] : memref<1000x1xf32, #tpu.memory_space<vmem>>, vector<1000x1xf32>
    tpu.vector_store %arg4[%swap3A, %swap3A_27], %add3A_26 {strides = array<i32>} : memref<1000x1xf32, #tpu.memory_space<vmem>>, vector<1000x1xf32>,
    return
  }
  func.func @transform_0(%arg0: i32) -> (i32, i32, i32) {
    %c0_i32 = arith.constant 0 : i32
    %c0_i32_0 = arith.constant 0 : i32
    %c0_i32_1 = arith.constant 0 : i32
    return %c0_i32, %arg0, %c0_i32_0 : i32, i32, i32
  }
  func.func @transform_1(%arg0: i32) -> (i32, i32) {
    %c0_i32 = arith.constant 0 : i32
    %c0_i32_0 = arith.constant 0 : i32
    %c0_i32_1 = arith.constant 0 : i32
    return %c0_i32, %c0_i32_0 : i32, i32
  }
  func.func @transform_2(%arg0: i32) -> i32 {
    %c0_i32 = arith.constant 0 : i32
    %c0_i32_0 = arith.constant 0 : i32
    return %c0_i32 : i32
  }
  func.func @transform_3(%arg0: i32) -> (i32, i32) {
    %c0_i32 = arith.constant 0 : i32
    %c0_i32_0 = arith.constant 0 : i32
    return %arg0, %c0_i32 : i32, i32
  }
}

</mosaic_0001>

<sc_bundles>
// kernel: kernel.5.cloned.1.call-start
scs
__scs_entry_jumppad:
0x0: {  	(pc) =	sbr.rel $0x88, $3  }
0x1: {  	(tag) =	ssettag $0x0;
	lr =	simm.s32 $0x1  }
0x2: {  	[smem:$0x3F8F] =	sst lr;
	_ =	strace $0xD0000000  }
0x3: {  	_ = 	snop  }
0x4: {  	_ = 	snop  }
0x5: {  	_ = 	snop  }
0x6: {  	_ = 	snop  }
0x7: {  	_ = 	snop  }
__scs_overlays_trampoline_lowered:
0x8: {  	[smem:$0x3F9E] =	sst s0  }
0x9: {  	[smem:$0x3F9F] =	sst s1  }
0xa: {  	[smem:$0x3FA0] =	sst s2  }
0xb: {  	[smem:$0x3FA1] =	sst s3  }
0xc: {  	[smem:$0x3FA2] =	sst s4  }
0xd: {  	[smem:$0x3FA3] =	sst s5  }
0xe: {  	[smem:$0x3FA4] =	sst s6  }
0xf: {  	[smem:$0x3FA5] =	sst s7  }
0x10: {  	[smem:$0x3FA6] =	sst s8  }
0x11: {  	[smem:$0x3FA7] =	sst s9;
	s0 =	simm.s32 @!p0 $0x0  }
0x12: {  	s1 =	sld [smem:$0x3F8D];
	s0 =	simm.s32 @p0 $0x1  }
0x13: {  	[smem:$0x3FA8] =	sst s0;
	s0 =	simm.s32 @!p1 $0x0  }
0x14: {  	s2 =	sld [smem:$0x3F8C];
	s0 =	simm.s32 @p1 $0x1  }
0x15: {  	[smem:$0x3FA9] =	sst s0;
	s0 =	simm.s32 @!p2 $0x0  }
0x16: {  	s3 =	sld [smem:$0x3FDB];
	s0 =	simm.s32 @p2 $0x1  }
0x17: {  	s4 =	simm.s32 $0x1BF5;
	[smem:$0x3FAB] =	sst s0  }
0x18: {  	s0 =	sld [smem:$0x3F8E];
	_ =	swait.ge [sflag:s4], $0x0  }
0x19: {  	s7 =	sld [smem:$0x3F8F]  }
0x1a: {  	s8 =	sadd.s32 $0xFFFFE003, lr  }
0x1b: {  	s9 =	sadd.s32 $0xFFFFFEF7, lr;
	s5 =	simm.s32 $0xFFFFFFFF;
	p2 =	slt.u32 s8, $0xFFFFF086  }
0x1c: {  	p1 =	slt.u32 s9, $0xF7A;
	s5 =	simm.s32 @!p2 $0x0  }
0x1d: {  	s5 =	simm.s32 @p1 $0x1;
	p0 =	seq.s32 s7, s2  }
0x1e: {  	s7 =	smul.u32 @!p0 $0xF7A, s2;
	p2 =	seq.s32 @!p0 s5, $0x0  }
0x1f: {  	s9 =	smul.u32 $0xF7A, s1;
	s8 =	simm.s32 @!p0 $0x1BF5;
	p2 =	por !p2, p0  }
0x20: {  	[sflag:s8] =	ssyncset.s32 @!p0 $0xFFFFF086;
	s6 =	sadd.s32 @!p0 s3, s7;
	s7 =	simm.s32 @!p0 $0x108  }
0x21: {  	s3 =	sadd.s32 s3, s9;
	s6 =	sadd.s32 @!p0 $0x88, s6;
	s7 =	simm.s32 @p2 $0x1082  }
0x22: {  	[simem:s7], [sflag:s8] =	dma.local @!p0 [hbm:s6], $0xF7A  }
0x23: {  	s9 =	sor.u32 $0xD0000000, s2;
	s6 =	simm.s32 $0x108;
	_ =	swait.ge @!p0 [sflag:s8], $0x0  }
0x24: {  	s3 =	sadd.s32 $0x88, s3;
	s6 =	simm.s32 @!p1 $0x1082;
	[sflag:s4] =	ssyncset.s32 $0xFFFFF086  }
0x25: {  	[simem:s6], [sflag:s4] =	dma.local [hbm:s3], $0xF7A  }
0x26: {  	[smem:$0x3F8F] =	sst s1;
	(tag) =	ssettag s2;
	_ =	strace s9  }
0x27: {  	s1 =	sld [smem:$0x3F9F]  }
0x28: {  	s2 =	sld [smem:$0x3FA0]  }
0x29: {  	s4 =	sld [smem:$0x3FA2]  }
0x2a: {  	p0 =	seq.s32 s5, $0x0;
	s5 =	sld [smem:$0x3FA3]  }
0x2b: {  	s6 =	sld [smem:$0x3FA4]  }
0x2c: {  	s7 =	sld [smem:$0x3FA5]  }
0x2d: {  	s3 =	simm.s32 $0x108;
	s8 =	sld [smem:$0x3FA6]  }
0x2e: {  	s3 =	simm.s32 @!p0 $0x1082;
	s9 =	sld [smem:$0x3FA7]  }
0x2f: {  	lr =	sadd.s32 s0, s3;
	s0 =	sld [smem:$0x3F9E]  }
0x30: {  	s3 =	sld [smem:$0x3FA1]  }
0x31: {  	[smem:$0x3FAA] =	sst s10  }
0x32: {  	s10 =	sld [smem:$0x3FA8];
	_ =	sdelay $0x3  }
0x33: {  	p0 =	seq.s32 s10, $0x1;
	s10 =	sld [smem:$0x3FAA];
	_ =	sdelay $0x3  }
0x34: {  	[smem:$0x3FAA] =	sst s10  }
0x35: {  	s10 =	sld [smem:$0x3FA9];
	_ =	sdelay $0x3  }
0x36: {  	p1 =	seq.s32 s10, $0x1;
	s10 =	sld [smem:$0x3FAA];
	_ =	sdelay $0x3  }
0x37: {  	[smem:$0x3FAA] =	sst s10  }
0x38: {  	s10 =	sld [smem:$0x3FAB]  }
0x39: {  	_ = 	snop;
	(pc) =	sbr.ind lr, $3  }
0x3a: {  	_ = 	snop  }
0x3b: {  	_ = 	snop  }
0x3c: {  	p2 =	seq.s32 s10, $0x1;
	s10 =	sld [smem:$0x3FAA]  }
0x3d: {  	_ =	shalt  }
0x3e: {  	_ =	shalt  }
0x3f: {  	_ =	shalt  }
0x40: {  	_ =	shalt  }
0x41: {  	_ =	shalt  }
0x42: {  	_ =	shalt  }
0x43: {  	_ =	shalt  }
0x44: {  	_ =	shalt  }
0x45: {  	_ =	shalt  }
0x46: {  	_ =	shalt  }
0x47: {  	_ =	shalt  }
0x48: {  	_ =	shalt  }
0x49: {  	_ =	shalt  }
0x4a: {  	_ =	shalt  }
0x4b: {  	_ =	shalt  }
0x4c: {  	_ =	shalt  }
0x4d: {  	_ =	shalt  }
0x4e: {  	_ =	shalt  }
0x4f: {  	_ =	shalt  }
0x50: {  	_ =	shalt  }
0x51: {  	_ =	shalt  }
0x52: {  	_ =	shalt  }
0x53: {  	_ =	shalt  }
0x54: {  	_ =	shalt  }
0x55: {  	_ =	shalt  }
0x56: {  	_ =	shalt  }
0x57: {  	_ =	shalt  }
0x58: {  	_ =	shalt  }
0x59: {  	_ =	shalt  }
0x5a: {  	_ =	shalt  }
0x5b: {  	_ =	shalt  }
0x5c: {  	_ =	shalt  }
0x5d: {  	_ =	shalt  }
0x5e: {  	_ =	shalt  }
0x5f: {  	_ =	shalt  }
0x60: {  	_ =	shalt  }
0x61: {  	_ =	shalt  }
0x62: {  	_ =	shalt  }
0x63: {  	_ =	shalt  }
0x64: {  	_ =	shalt  }
0x65: {  	_ =	shalt  }
0x66: {  	_ =	shalt  }
0x67: {  	_ =	shalt  }
0x68: {  	_ =	shalt  }
0x69: {  	_ =	shalt  }
0x6a: {  	_ =	shalt  }
0x6b: {  	_ =	shalt  }
0x6c: {  	_ =	shalt  }
0x6d: {  	_ =	shalt  }
0x6e: {  	_ =	shalt  }
0x6f: {  	_ =	shalt  }
0x70: {  	_ =	shalt  }
0x71: {  	_ =	shalt  }
0x72: {  	_ =	shalt  }
0x73: {  	_ =	shalt  }
0x74: {  	_ =	shalt  }
0x75: {  	_ =	shalt  }
0x76: {  	_ =	shalt  }
0x77: {  	_ =	shalt  }
0x78: {  	_ =	shalt  }
0x79: {  	_ =	shalt  }
0x7a: {  	_ =	shalt  }
0x7b: {  	_ =	shalt  }
0x7c: {  	_ =	shalt  }
0x7d: {  	_ =	shalt  }
0x7e: {  	_ =	shalt  }
0x7f: {  	_ =	shalt  }
0x80: {  	_ =	shalt  }
0x81: {  	_ =	shalt  }
0x82: {  	_ =	shalt  }
0x83: {  	_ =	shalt  }
0x84: {  	_ =	shalt  }
0x85: {  	_ =	shalt  }
0x86: {  	_ =	shalt  }
0x87: {  	_ =	shalt  }
.Lfunc_end0:
.L_simem_size_0:
called_computation_lowered:
.L_overlay_start_0:
0x88: {  	s2 =	sld [smem:$0x3FD9]  }
0x89: {  	s3 =	sld [smem:$0x3FFE];
	_ =	sdelay $0x1  }
0x8a: {  	s1 =	srdreg.scid  }
0x8b: {  	s0 =	sand.u32 $0x1, s1  }
0x8c: {  	s16 =	sshll.u32 s0, $0xA;
	s2 =	sadd.s32 s3, s2  }
0x8d: {  	s2 =	sadd.s32 s2, s16  }
0x8e: {  	[smem:$0x3FB6] =	sst s2  }
0x8f: {  	_ = 	snop  }
0x90: {  	(tm) =	ssettm $0x1  }
0x91: {  	s17 =	sld [smem:$0x3FFB];
	_ =	sdelay $0x3  }
0x92: {  	_ =	strace s17  }
0x93: {  	s2 =	sld [smem:$0x3FFC];
	_ =	sdelay $0x3  }
0x94: {  	_ =	strace s2  }
0x95: {  	s2 =	sld [smem:$0x3FFD];
	_ =	sdelay $0x3  }
0x96: {  	_ =	strace s2  }
0x97: {  	_ =	strace $0x8FFFFFFF  }
0x98: {  	s18 =	sld [smem:$0x3FDB];
	_ =	sdelay $0x1  }
0x99: {  	s19 =	simm.s32 $_scs_section_size  }
0x9a: {  	s4 =	simm.s32 $_size__tile_overlayer_lowered;
	s5 =	simm.s32 $_tile_overlayer_lowered  }
0x9b: {  	s22 =	simm.s32 $0x1BFF;
	s21 =	sshll.u32 s5, $0x1;
	s2 =	sadd.s32 s19, s18  }
0x9c: {  	s6 =	simm.s32 $0x0;
	s20 =	sshll.u32 s4, $0x1;
	s4 =	sadd.s32 s21, s2  }
0x9d: {  	[timem:s6], [sflag:s22] =	dma.local [hbm:s4], s20  }
0x9e: {  	_ =	swait.ge [sflag:s22], s20  }
0x9f: {  	s3 =	ssub.s32 $0x0, s20;
	[sflag:s22] =	ssyncset.done $0x0  }
0xa0: {  	[sflag:s22] =	ssyncadd.s32 s3;
	_ =	sdelay $0x1  }
0xa1: {  	s23 =	simm.s32 $0x1B8B  }
0xa2: {  	_ =	swait.ge [sflag:s23], $0x1  }
0xa3: {  	[sflag:s23] =	ssyncset.done $0x0  }
0xa4: {  	s25 =	simm.s32 $0x1B8E;
	s24 =	sld [smem:$0x3FFE];
	[sflag:s23] =	ssyncadd.s32 $0xFFFFFFFF  }
0xa5: {  	s26 =	simm.s32 $execute0_lowered;
	[smem:$0x3FD2] =	sst s25  }
0xa6: {  	s4 =	sshll.u32 s26, $0x1;
	_ =	strace $0x80000046;
	[dreg:$0x1] =	wrdreg $0xFFFFFFFF  }
0xa7: {  	s28 =	simm.s32 $_size_execute0_lowered;
	s2 =	sadd.s32 s2, s4;
	[dreg:$0x0] =	wrdreg $0x0  }
0xa8: {  	s4 =	sshll.u32 s28, $0x1;
	[dreg:$0x2] =	wrdreg s2  }
0xa9: {  	[dreg:$0x3] =	wrdreg s4  }
0xaa: {  	[dreg:$0x4] =	wrdreg $0xC0  }
0xab: {  	_ =	task [dreg:s6], $0x5FFFF  }
0xac: {  	[dreg:$0x1] =	wrdreg $0xFFFFFFFF  }
0xad: {  	[dreg:$0x0] =	wrdreg $0x60  }
0xae: {  	[dreg:$0x2] =	wrdreg s24  }
0xaf: {  	[dreg:$0x3] =	wrdreg $0x0  }
0xb0: {  	[dreg:$0x4] =	wrdreg $0x9  }
0xb1: {  	_ =	task.clear_ibuf [dreg:s6], $0x5FFFF;
	_ =	strace $0x90000046  }
0xb2: {  	s29 =	simm.s32 $0x9;
	_ =	strace $0x80000048  }
0xb3: {  	_ =	swait.ge [sflag:s29], $0x1  }
0xb4: {  	[sflag:s29] =	ssyncadd.s32 $0xFFFFFFFF  }
0xb5: {  	_ =	strace $0x90000048  }
0xb6: {  	_ =	sfence  }
0xb7: {  	s30 =	sld [smem:$0x0];
	_ =	sdelay $0x2  }
0xb8: {  	s31 =	sshll.u32 s1, $0xD;
	s1 =	sshrl.u32 s1, $0x2  }
0xb9: {  	s3 =	sand.u32 $0x4000, s31;
	s1 =	sadd.s32 s1, s30  }
0xba: {  	s0 =	sor.u32 s3, s0;
	s1 =	sshll.u32 s1, $0x11  }
0xbb: {  	s0 =	sor.u32 s1, s0  }
0xbc: {  	s0 =	sadd.s32 $0x8F2B, s0  }
0xbd: {  	[sflag:s0] =	ssyncadd.remote.s32 $0x1  }
0xbe: {  	_ =	sfence.sel $0xFFFF  }
0xbf: {  	[dreg:$0x0] =	wrdreg $0xFFFFFFFF;
	(pc) =	sbr.abs _section_cstart, $3  }
0xc0: {  	[dreg:$0x1] =	wrdreg $0xFFFFFFFF  }
0xc1: {  	_ =	task.clear_ibuf [dreg:s6], $0x2FFFF;
	_ =	strace $0x9FFFFFFF  }
0xc2: {  	(tm) =	ssettm $0x7FFFFFFF  }
0xc3: {  	_ =	shalt  }
tec
execute0_lowered:
.L_overlay_start_1:
0x0: {  	(tag) =	ssettag $0x1  }
0x1: {  	s4 =	rddreg [dreg:$0x0];
	s1 =	srdreg.scid  }
0x2: {  	s0 =	stileid.u32;
	s2 =	rddreg [dreg:$0x1];
	s3 =	simm.s32 $0x0  }
0x3: {  	s15 =	simm.s32 $0x13900;
	s16 =	simm.s32 $0x13A00;
	s17 =	simm.s32 $0x13980  }
0x4: {  	s18 =	simm.s32 $0x13A80;
	s19 =	simm.s32 $0x1;
	s20 =	simm.s32 $0x80  }
0x5: {  	s21 =	simm.s32 $0x13B00;
	s22 =	simm.s32 $0x3;
	s23 =	simm.s32 $0x2  }
0x6: {  	s24 =	simm.s32 $0x17B00;
	s25 =	simm.s32 $0x4;
	s26 =	simm.s32 $0x0  }
0x7: {  	s5 =	sand.u32 $0x1, s1;
	s6 =	smul.u32 $0x278, s0;
	s1 =	rddreg [dreg:$0x2]  }
0x8: {  	[smem:$0x7FF] =	sst s3;
	s28 =	sadd.s32 $0x1600, s4;
	s30 =	smul.u32 $0xA00, s0  }
0x9: {  	s9 =	sadd.s32 $0xB600, s4;
	s31 =	sshll.u32 s0, $0x6;
	s7 =	smul.u32 $0x2710, s5  }
0xa: {  	s8 =	smul.u32 $0x4E200, s5;
	_ =	strace $0x80000047;
	s29 =	ssub.s32 $0x2, s5  }
0xb: {  	s6 =	smin.u32 s6, $0x2498;
	s5 =	sshrl.u32 s29, $0x1;
	s14 =	sor.u32 $0x10, s30  }
0xc: {  	s7 =	sadd.s32 s7, s6;
	s10 =	sadd.s32 s8, s4;
	s6 =	sshll.u32 s6, $0x7  }
0xd: {  	s12 =	ssub.s32 s29, s5;
	s5 =	sor.u32 $0x1C05, s31;
	s8 =	sadd.s32 s28, s14  }
0xe: {  	s7 =	sshll.u32 s7, $0x4;
	s13 =	sadd.s32 s6, s2;
	s6 =	sadd.s32 s28, s30  }
0xf: {  	s10 =	sadd.s32 $0x15600, s10;
	s12 =	smax.u32 s12, $0x1;
	s11 =	sadd.s32 s7, s4  }
0x10: {  	s7 =	sadd.s32 s9, s30;
	s9 =	sadd.s32 s9, s14;
	s13 =	sshrl.u32 s13, $0x3  }
0x11: {  	s14 =	simm.s32 $0x5;
	s4 =	sadd.s32 $0xB1A00, s11;
	s11 =	sadd.s32 $0xFFC00, s11  }
.LBB2_1:
0x12: {  	[spmem:s13], [sflag:s5] =	dma.local [hbm:s4], $0x2780  }
0x13: {  	_ =	swait.ge [sflag:s14], $0x2780  }
0x14: {  	[sflag:s14] =	ssyncset.done $0x0  }
0x15: {  	[sflag:s14] =	ssyncadd.s32 $0xFFFFD880  }
0x16: {  	[tilespmem:s15], [sflag:$0x1] =	stream.linear.gather [hbm4b:s6+s3], $0x80, $0x38;
	[tilespmem:$0x1BB00] =	vst v63  }
0x17: {  	_ = 	snop  }
0x18: {  	[tilespmem:s16], [sflag:$0x1] =	stream.linear.gather [hbm4b:s7+s3], $0x80, $0x38;
	[tilespmem:$0x1BB00] =	vst v63  }
0x19: {  	_ = 	snop  }
0x1a: {  	[tilespmem:s17], [sflag:$0x2] =	stream.linear.gather [hbm4b:s8+s3], $0x80, $0x38;
	[tilespmem:$0x1BB00] =	vst v63  }
0x1b: {  	_ = 	snop  }
0x1c: {  	[tilespmem:s18], [sflag:$0x2] =	stream.linear.gather [hbm4b:s9+s3], $0x80, $0x38;
	[tilespmem:$0x1BB00] =	vst v63  }
0x1d: {  	_ =	swait.ge [sflag:s19], $0x80  }
0x1e: {  	[sflag:s19] =	ssyncset.done $0x0  }
0x1f: {  	[sflag:s19] =	ssyncadd.s32 $0xFFFFFF80  }
0x20: {  	_ =	swait.ge [sflag:s19], $0x80  }
0x21: {  	[sflag:s19] =	ssyncset.done $0x0  }
0x22: {  	[sflag:s19] =	ssyncadd.s32 $0xFFFFFF80  }
0x23: {  	[tilespmem:s21], [sflag:$0x3] =	stream.indirect.gather [hbm4b:s10+s20], $0x80, s15, s20, $0xb8;
	[tilespmem:$0x1BB00] =	vst v63  }
0x24: {  	[bflag:$0x0] =	sbarrier.arrive $0xFFFF  }
0x25: {  	_ =	swait.ge [sflag:s22], $0x4000  }
0x26: {  	[sflag:s22] =	ssyncset.done $0x0  }
0x27: {  	[sflag:s22] =	ssyncadd.s32 $0xFFFFC000  }
0x28: {  	_ =	swait.ge [sflag:s23], $0x80  }
0x29: {  	[sflag:s23] =	ssyncset.done $0x0  }
0x2a: {  	[sflag:s23] =	ssyncadd.s32 $0xFFFFFF80  }
0x2b: {  	_ =	swait.ge [sflag:s23], $0x80  }
0x2c: {  	[sflag:s23] =	ssyncset.done $0x0  }
0x2d: {  	[sflag:s23] =	ssyncadd.s32 $0xFFFFFF80  }
0x2e: {  	[tilespmem:s24], [sflag:$0x4] =	stream.indirect.gather [hbm4b:s10+s20], $0x80, s17, s20, $0xb8;
	[tilespmem:$0x1BB00] =	vst v63  }
0x2f: {  	_ = 	snop  }
0x30: {  	[spmem:s2] =	stream.indirect.scatter.add.f32 [tilespmem:s21], [sflag:$0x5], $0x80, s16, s20, $0xb8;
	[tilespmem:$0x1BB00] =	vst v63  }
0x31: {  	_ =	swait.ge [sflag:s14], $0x4000  }
0x32: {  	s28 =	sadd.s32 $0xFFFFF620, s6;
	[sflag:s14] =	ssyncset.done $0x0  }
0x33: {  	s30 =	sadd.s32 $0xFFFFF620, s7;
	s29 =	sadd.s32 $0xA00, s28;
	[sflag:s14] =	ssyncadd.s32 $0xFFFFC000  }
0x34: {  	[tilespmem:s15], [sflag:$0x1] =	stream.linear.gather [hbm4b:s29+s3], $0x80, $0x38;
	[tilespmem:$0x1BB00] =	vst v63  }
0x35: {  	s29 =	sadd.s32 $0xA00, s30  }
0x36: {  	[tilespmem:s16], [sflag:$0x1] =	stream.linear.gather [hbm4b:s29+s3], $0x80, $0x38;
	[tilespmem:$0x1BB00] =	vst v63  }
0x37: {  	_ =	swait.ge [sflag:s25], $0x4000  }
0x38: {  	[sflag:s25] =	ssyncset.done $0x0  }
0x39: {  	[sflag:s25] =	ssyncadd.s32 $0xFFFFC000  }
0x3a: {  	_ =	swait.ge [sflag:s19], $0x80  }
0x3b: {  	[sflag:s19] =	ssyncset.done $0x0  }
0x3c: {  	[sflag:s19] =	ssyncadd.s32 $0xFFFFFF80  }
0x3d: {  	_ =	swait.ge [sflag:s19], $0x80  }
0x3e: {  	[sflag:s19] =	ssyncset.done $0x0  }
0x3f: {  	[sflag:s19] =	ssyncadd.s32 $0xFFFFFF80  }
0x40: {  	[tilespmem:s21], [sflag:$0x3] =	stream.indirect.gather [hbm4b:s10+s20], $0x80, s15, s20, $0xb8;
	[tilespmem:$0x1BB00] =	vst v63  }
0x41: {  	_ = 	snop  }
0x42: {  	[spmem:s2] =	stream.indirect.scatter.add.f32 [tilespmem:s24], [sflag:$0x5], $0x80, s18, s20, $0xb8;
	[tilespmem:$0x1BB00] =	vst v63  }
0x43: {  	_ =	swait.ge [sflag:s14], $0x4000  }
0x44: {  	[sflag:s14] =	ssyncset.done $0x0  }
0x45: {  	s28 =	sadd.s32 $0xA10, s28;
	[sflag:s14] =	ssyncadd.s32 $0xFFFFC000  }
0x46: {  	[tilespmem:s17], [sflag:$0x2] =	stream.linear.gather [hbm4b:s28+s3], $0x80, $0x38;
	[tilespmem:$0x1BB00] =	vst v63  }
0x47: {  	s29 =	sadd.s32 $0xA10, s30;
	s28 =	simm.s32 $0xFFFFF640  }
.LBB2_2:
0x48: {  	[tilespmem:s18], [sflag:$0x2] =	stream.linear.gather [hbm4b:s29+s3], $0x80, $0x38;
	[tilespmem:$0x1BB00] =	vst v63  }
0x49: {  	s29 =	smov.u32 s28  }
0x4a: {  	p0 =	sne.s32 s28, $0xFFFFFFE0;
	s28 =	sadd.s32 $0x20, s28;
	_ =	swait.ge [sflag:s22], $0x4000  }
0x4b: {  	[sflag:s22] =	ssyncset.done $0x0  }
0x4c: {  	[sflag:s22] =	ssyncadd.s32 $0xFFFFC000  }
0x4d: {  	_ =	swait.ge [sflag:s23], $0x80  }
0x4e: {  	[sflag:s23] =	ssyncset.done $0x0  }
0x4f: {  	[sflag:s23] =	ssyncadd.s32 $0xFFFFFF80  }
0x50: {  	_ =	swait.ge [sflag:s23], $0x80  }
0x51: {  	[sflag:s23] =	ssyncset.done $0x0  }
0x52: {  	[sflag:s23] =	ssyncadd.s32 $0xFFFFFF80  }
0x53: {  	[tilespmem:s24], [sflag:$0x4] =	stream.indirect.gather [hbm4b:s10+s20], $0x80, s17, s20, $0xb8;
	[tilespmem:$0x1BB00] =	vst v63  }
0x54: {  	_ = 	snop  }
0x55: {  	[spmem:s2] =	stream.indirect.scatter.add.f32 [tilespmem:s21], [sflag:$0x5], $0x80, s16, s20, $0xb8;
	[tilespmem:$0x1BB00] =	vst v63  }
0x56: {  	_ =	swait.ge [sflag:s14], $0x4000  }
0x57: {  	s30 =	sadd.s32 s29, s6;
	[sflag:s14] =	ssyncset.done $0x0  }
0x58: {  	s29 =	sadd.s32 s29, s7;
	s31 =	sadd.s32 $0xA00, s30;
	[sflag:s14] =	ssyncadd.s32 $0xFFFFC000  }
0x59: {  	[tilespmem:s15], [sflag:$0x1] =	stream.linear.gather [hbm4b:s31+s3], $0x80, $0x38;
	[tilespmem:$0x1BB00] =	vst v63  }
0x5a: {  	s31 =	sadd.s32 $0xA00, s29  }
0x5b: {  	[tilespmem:s16], [sflag:$0x1] =	stream.linear.gather [hbm4b:s31+s3], $0x80, $0x38;
	[tilespmem:$0x1BB00] =	vst v63  }
0x5c: {  	_ =	swait.ge [sflag:s25], $0x4000  }
0x5d: {  	[sflag:s25] =	ssyncset.done $0x0  }
0x5e: {  	[sflag:s25] =	ssyncadd.s32 $0xFFFFC000  }
0x5f: {  	_ =	swait.ge [sflag:s19], $0x80  }
0x60: {  	[sflag:s19] =	ssyncset.done $0x0  }
0x61: {  	[sflag:s19] =	ssyncadd.s32 $0xFFFFFF80  }
0x62: {  	_ =	swait.ge [sflag:s19], $0x80  }
0x63: {  	[sflag:s19] =	ssyncset.done $0x0  }
0x64: {  	[sflag:s19] =	ssyncadd.s32 $0xFFFFFF80  }
0x65: {  	[tilespmem:s21], [sflag:$0x3] =	stream.indirect.gather [hbm4b:s10+s20], $0x80, s15, s20, $0xb8;
	[tilespmem:$0x1BB00] =	vst v63  }
0x66: {  	_ = 	snop  }
0x67: {  	[spmem:s2] =	stream.indirect.scatter.add.f32 [tilespmem:s24], [sflag:$0x5], $0x80, s18, s20, $0xb8;
	[tilespmem:$0x1BB00] =	vst v63  }
.Ltmp0:
0x68: {  	_ =	swait.ge [sflag:s14], $0x4000;
	(pc) =	sbr.rel @p0 .LBB2_2-.Ltmp0, $4  }
0x69: {  	[sflag:s14] =	ssyncset.done $0x0  }
0x6a: {  	s30 =	sadd.s32 $0xA10, s30;
	[sflag:s14] =	ssyncadd.s32 $0xFFFFC000  }
0x6b: {  	[tilespmem:s17], [sflag:$0x2] =	stream.linear.gather [hbm4b:s30+s3], $0x80, $0x38;
	[tilespmem:$0x1BB00] =	vst v63  }
0x6c: {  	s29 =	sadd.s32 $0xA10, s29  }
0x6d: {  	[tilespmem:s18], [sflag:$0x2] =	stream.linear.gather [hbm4b:s29+s3], $0x80, $0x38;
	[tilespmem:$0x1BB00] =	vst v63  }
0x6e: {  	_ =	swait.ge [sflag:s22], $0x4000  }
0x6f: {  	[sflag:s22] =	ssyncset.done $0x0  }
0x70: {  	[sflag:s22] =	ssyncadd.s32 $0xFFFFC000  }
0x71: {  	_ =	swait.ge [sflag:s23], $0x80  }
0x72: {  	[sflag:s23] =	ssyncset.done $0x0  }
0x73: {  	[sflag:s23] =	ssyncadd.s32 $0xFFFFFF80  }
0x74: {  	_ =	swait.ge [sflag:s23], $0x80  }
0x75: {  	s26 =	sadd.s32 $0x1, s26;
	[sflag:s23] =	ssyncset.done $0x0  }
0x76: {  	p0 =	sne.s32 s26, s12;
	[sflag:s23] =	ssyncadd.s32 $0xFFFFFF80  }
.Ltmp1:
0x77: {  	[bflag:$0x0] =	sbarrier.arrive $0xFFFF;
	(pc) =	sbr.rel @p0 .LBB2_1-.Ltmp1, $4  }
0x78: {  	[hbm:s11], [sflag:s5] =	dma.local [spmem:s13], $0x2780  }
0x79: {  	_ =	swait.ge [sflag:s14], $0x2780  }
0x7a: {  	[sflag:s14] =	ssyncset.done $0x0  }
0x7b: {  	[sflag:s14] =	ssyncadd.s32 $0xFFFFD880  }
0x7c: {  	_ =	sfence.sel $0x180000  }
0x7d: {  	[bflag:$0x0] =	sbarrier.arrive $0xFFFF  }
0x7e: {  	p0 =	sne.s32 s0, $0x0;
	_ =	strace $0x90000047  }
0x7f: {  	s0 =	sadd.s32 @!p0 $0x100000, s1;
	[bflag:$0x2] =	sbarrier.arrive $0xFFFF  }
0x80: {  	[sflag:s0] =	ssyncadd.tile.s32 @!p0 $0x1;
	_ =	shalt  }
.Lfunc_end2:
_tile_overlayer_lowered:
.L_overlay_start_2:
0x81: {  	(tag) =	ssettag $0x2  }
0x82: {  	s0 =	rddreg [dreg:$0x0];
	s2 =	stileid.u32  }
0x83: {  	s1 =	rddreg [dreg:$0x1];
	p0 =	sne.s32 s2, $0x0  }
0x84: {  	s3 =	rddreg [dreg:$0x2];
	[bflag:$0x3] =	sbarrier.arrive $0xFFFF;
	s2 =	simm.s32 @!p0 $0x1C05  }
0x85: {  	[timem:s3], [sflag:s2] =	dma.local @!p0 [hbm:s0], s1  }
0x86: {  	s0 =	simm.s32 @!p0 $0x5  }
0x87: {  	_ =	swait.ge @!p0 [sflag:s0], s1  }
0x88: {  	s1 =	ssub.s32 @!p0 $0x0, s1;
	[sflag:s0] =	ssyncset.done @!p0 $0x0  }
0x89: {  	[sflag:s0] =	ssyncadd.s32 @!p0 s1  }
0x8a: {  	[bflag:$0x3] =	sbarrier.arrive $0xFFFF  }
0x8b: {  	_ =	shalt  }

</sc_bundles>
